<compile_context>
chip_gen: v7x
topology: tpu7x:2x2x1
jax: 0.10.2.dev20260603
libtpu: 0.0.44.dev20260713+nightly
codegen_flags: <defaults>
</compile_context>

<pallas_src>
import jax
import jax.numpy as jnp
from jax import lax
from jax.experimental import pallas as pl
from jax.experimental.pallas import tpu as pltpu
from jax.experimental.pallas import tpu_sc as plsc

N = 10000
E = 320000
D = 128

NC = 2
NS = 16
NH = N // NC
DUMMY = NH
ACCR = 5008
EPT = E // NS
C = 80
NCHUNK = EPT // C
RPT = 312
RPT_LAST = NH - (NS - 1) * RPT
HR = 80


def _seg_sum_body(with_cnt, *refs):
    if with_cnt:
        (y, src_hbm, dst_hbm, zrow_hbm, p_hbm, cnt_hbm,
         src_all, dst_all, ldst_a, ldst_b, rows_a, rows_b, hist_v,
         acc, sem_ga, sem_gb, sem_sa, sem_sb) = refs
    else:
        (y, src_hbm, dst_hbm, zrow_hbm, p_hbm,
         src_all, dst_all, ldst_a, ldst_b, rows_a, rows_b,
         acc, sem_ga, sem_gb, sem_sa, sem_sb) = refs

    c = lax.axis_index("c")
    s = lax.axis_index("s")
    ebase = s * EPT
    rbase = s * RPT
    nodebase = c * NH

    @pl.when(s < NS - 1)
    def _():
        pltpu.sync_copy(zrow_hbm.at[pl.ds(0, RPT)], acc.at[pl.ds(rbase, RPT)])

    @pl.when(s == NS - 1)
    def _():
        pltpu.sync_copy(zrow_hbm, acc.at[pl.ds(rbase, RPT_LAST)])

    if with_cnt:
        zeros16 = jnp.zeros((16,), jnp.float32)

        def zfill(i, carry):
            for k in range(D // 16):
                hist_v[i, pl.ds(k * 16, 16)] = zeros16
            return carry

        lax.fori_loop(0, HR, zfill, 0)
    plsc.subcore_barrier()

    pltpu.sync_copy(src_hbm.at[pl.ds(ebase, EPT)], src_all)
    pltpu.sync_copy(dst_hbm.at[pl.ds(ebase, EPT)], dst_all)
    pltpu.async_copy(y.at[src_all.at[pl.ds(0, C)]], rows_a, sem_ga)

    def half_iter(g, rows_p, ldst_p, sem_gp, sem_sp, rows_q, ldst_q,
                  sem_gq, sem_sq):
        for k in range(C // 16):
            dv = dst_all[pl.ds(g * C + k * 16, 16)]
            lofs = dv - nodebase
            ok = jnp.logical_and(lofs >= 0, lofs < NH)
            ldst_p[pl.ds(k * 16, 16)] = jnp.where(ok, lofs, DUMMY)
            if with_cnt:
                cnts, last = plsc.scan_count(dv)
                plsc.addupdate_scatter(
                    hist_v, [lax.shift_right_logical(dv, 7),
                             lax.bitwise_and(dv, 127)],
                    cnts.astype(jnp.float32), mask=last)
        pltpu.make_async_copy(y.at[src_all.at[pl.ds(0, C)]],
                              rows_p, sem_gp).wait()
        pltpu.async_copy(rows_p, acc.at[ldst_p], sem_sp, add=True)

        @pl.when(g >= 1)
        def _():
            pltpu.make_async_copy(rows_q, acc.at[ldst_q], sem_sq).wait()

        @pl.when(g + 1 < NCHUNK)
        def _():
            pltpu.async_copy(y.at[src_all.at[pl.ds((g + 1) * C, C)]],
                             rows_q, sem_gq)

    def body(g, carry):
        even = lax.rem(g, 2) == 0

        @pl.when(even)
        def _():
            half_iter(g, rows_a, ldst_a, sem_ga, sem_sa,
                      rows_b, ldst_b, sem_gb, sem_sb)

        @pl.when(jnp.logical_not(even))
        def _():
            half_iter(g, rows_b, ldst_b, sem_gb, sem_sb,
                      rows_a, ldst_a, sem_ga, sem_sa)
        return carry

    lax.fori_loop(0, NCHUNK, body, 0)
    pltpu.make_async_copy(rows_b, acc.at[ldst_b], sem_sb).wait()
    if with_cnt:
        pltpu.sync_copy(hist_v, cnt_hbm.at[c, s])
    plsc.subcore_barrier()

    @pl.when(s < NS - 1)
    def _():
        pltpu.sync_copy(acc.at[pl.ds(rbase, RPT)],
                        p_hbm.at[c, pl.ds(rbase, RPT)])

    @pl.when(s == NS - 1)
    def _():
        pltpu.sync_copy(acc.at[pl.ds(rbase, RPT_LAST)],
                        p_hbm.at[c, pl.ds(rbase, RPT_LAST)])




def _make_seg_sum(with_cnt):
    import functools
    mesh = plsc.VectorSubcoreMesh(core_axis_name="c", subcore_axis_name="s")
    out_type = [jax.ShapeDtypeStruct((NC, NH, D), jnp.float32)]
    scratch = [
        pltpu.VMEM((EPT,), jnp.int32),
        pltpu.VMEM((EPT,), jnp.int32),
        pltpu.VMEM((C,), jnp.int32),
        pltpu.VMEM((C,), jnp.int32),
        pltpu.VMEM((C, D), jnp.float32),
        pltpu.VMEM((C, D), jnp.float32),
    ]
    if with_cnt:
        out_type.append(jax.ShapeDtypeStruct((NC, NS, HR, D), jnp.float32))
        scratch.append(pltpu.VMEM((HR, D), jnp.float32))
    scratch.append(pltpu.VMEM_SHARED((ACCR, D), jnp.float32))
    scratch += [pltpu.SemaphoreType.DMA, pltpu.SemaphoreType.DMA,
                pltpu.SemaphoreType.DMA, pltpu.SemaphoreType.DMA]

    return pl.kernel(
        functools.partial(_seg_sum_body, with_cnt),
        out_type=out_type, mesh=mesh,
        scratch_types=scratch,
        compiler_params=pltpu.CompilerParams(needs_layout_passes=False))


_seg_sum_cnt = _make_seg_sum(True)
_seg_sum = _make_seg_sum(False)


def _cntred_body(h_ref, o_ref):
    a = h_ref[0]
    for t in range(1, NS):
        a = a + h_ref[t]
    o_ref[...] = a


def _cntred(h):
    return pl.pallas_call(
        _cntred_body,
        out_shape=jax.ShapeDtypeStruct((HR, D), jnp.float32),
    )(h)


def _mid_body(p_ref, cnt_ref, x_ref, wl_ref, wr_ref, b_ref, o_ref):
    cnt = jnp.maximum(cnt_ref[...], 1.0)
    m = p_ref[...] / cnt
    z = (jnp.dot(m, wl_ref[...], preferred_element_type=jnp.float32)
         + jnp.dot(x_ref[...], wr_ref[...], preferred_element_type=jnp.float32)
         + b_ref[...])
    o_ref[...] = jnp.maximum(z, 0.0)


def _out_body(p_ref, cnt_ref, h_ref, wl_ref, wr_ref, b_ref, wo_ref, bo_ref,
              o_ref):
    cnt = jnp.maximum(cnt_ref[...], 1.0)
    m = p_ref[...] / cnt
    z = (jnp.dot(m, wl_ref[...], preferred_element_type=jnp.float32)
         + jnp.dot(h_ref[...], wr_ref[...], preferred_element_type=jnp.float32)
         + b_ref[...])
    h2 = jnp.maximum(z, 0.0)
    z2 = jnp.dot(h2, wo_ref[...], preferred_element_type=jnp.float32)
    o_ref[...] = jax.nn.sigmoid(z2 + bo_ref[...])


_GRID = 10
_BR = N // _GRID


def _mid(p, cnt, x, wl, wr, b):
    return pl.pallas_call(
        _mid_body,
        grid=(_GRID,),
        in_specs=[pl.BlockSpec((_BR, D), lambda i: (i, 0)),
                  pl.BlockSpec((_BR, 1), lambda i: (i, 0)),
                  pl.BlockSpec((_BR, D), lambda i: (i, 0)),
                  pl.BlockSpec((D, D), lambda i: (0, 0)),
                  pl.BlockSpec((D, D), lambda i: (0, 0)),
                  pl.BlockSpec((1, D), lambda i: (0, 0))],
        out_specs=pl.BlockSpec((_BR, D), lambda i: (i, 0)),
        out_shape=jax.ShapeDtypeStruct((N, D), jnp.float32),
    )(p, cnt, x, wl, wr, b)


def _final(p, cnt, h, wl, wr, b, wo, bo):
    return pl.pallas_call(
        _out_body,
        grid=(_GRID,),
        in_specs=[pl.BlockSpec((_BR, D), lambda i: (i, 0)),
                  pl.BlockSpec((_BR, 1), lambda i: (i, 0)),
                  pl.BlockSpec((_BR, D), lambda i: (i, 0)),
                  pl.BlockSpec((D, D), lambda i: (0, 0)),
                  pl.BlockSpec((D, D), lambda i: (0, 0)),
                  pl.BlockSpec((1, D), lambda i: (0, 0)),
                  pl.BlockSpec((D, D), lambda i: (0, 0)),
                  pl.BlockSpec((1, D), lambda i: (0, 0))],
        out_specs=pl.BlockSpec((_BR, D), lambda i: (i, 0)),
        out_shape=jax.ShapeDtypeStruct((N, D), jnp.float32),
    )(p, cnt, h, wl, wr, b, wo, bo)


@jax.jit
def kernel(x, edge_index, W1l, b1l, W1r, W2l, b2l, W2r, Wo, bo):
    src = edge_index[0]
    dst = edge_index[1]
    zrow = jnp.zeros((RPT_LAST, D), jnp.float32)

    p1c, hists = _seg_sum_cnt(x, src, dst, zrow)
    p1 = p1c.reshape(N, D)
    cnt = _cntred(hists[0]).reshape(HR * D)[:N].reshape(N, 1)
    h1 = _mid(p1, cnt, x, W1l.T, W1r.T, b1l.reshape(1, D))
    (p2c,) = _seg_sum(h1, src, dst, zrow)
    p2 = p2c.reshape(N, D)
    return _final(p2, cnt, h1, W2l.T, W2r.T, b2l.reshape(1, D), Wo.T,
                  bo.reshape(1, D))

# --- scband reference (transcript-rebuilt; emitter-appended) ---
"""Pipeline reference for scband-graph-sage-81767587381364 (READ-ONLY COPY).

The authoritative reference and input builder live on the scoring server;
editing this copy changes nothing except your own understanding.
"""

import jax, jax.numpy as jnp
import numpy as np

N = 10000
E = 320000
D_IN = 128
D_HID = 128
D_OUT = 128


def _linear_init(key, out_dim, in_dim):
    bound = 1.0 / np.sqrt(in_dim)
    return jax.random.uniform(key, (out_dim, in_dim), minval=-bound, maxval=bound, dtype=jnp.float32)


def setup_inputs(seed: int = 0) -> dict:
    key = jax.random.key(seed)
    ks = jax.random.split(key, 12)
    x = jax.random.normal(ks[0], (N, D_IN), dtype=jnp.float32)
    edge_index = jax.random.randint(ks[1], (2, E), 0, N, dtype=jnp.int32)
    # SAGEConv layer 1: lin_l (neighbor agg, has bias), lin_r (root, no bias)
    W1l = _linear_init(ks[2], D_HID, D_IN)
    b1l = jnp.zeros((D_HID,), dtype=jnp.float32)
    W1r = _linear_init(ks[3], D_HID, D_IN)
    # SAGEConv layer 2
    W2l = _linear_init(ks[4], D_HID, D_HID)
    b2l = jnp.zeros((D_HID,), dtype=jnp.float32)
    W2r = _linear_init(ks[5], D_HID, D_HID)
    # output linear
    Wo = _linear_init(ks[6], D_OUT, D_HID)
    bo = jax.random.uniform(ks[7], (D_OUT,), minval=-1.0 / np.sqrt(D_HID), maxval=1.0 / np.sqrt(D_HID), dtype=jnp.float32)
    return {"x": x, "edge_index": edge_index, "W1l": W1l, "b1l": b1l, "W1r": W1r,
            "W2l": W2l, "b2l": b2l, "W2r": W2r, "Wo": Wo, "bo": bo}


def _sage_conv(x, src, dst, Wl, bl, Wr):
    # mean aggregation of source-node features onto destination nodes (PyG SAGEConv default)
    msgs = jnp.take(x, src, axis=0)                       # gather [E, d]
    agg = jax.ops.segment_sum(msgs, dst, num_segments=N)  # scatter-add [N, d]
    cnt = jax.ops.segment_sum(jnp.ones((src.shape[0],), dtype=x.dtype), dst, num_segments=N)
    mean = agg / jnp.clip(cnt, 1.0, None)[:, None]
    return mean @ Wl.T + bl + x @ Wr.T


def reference(x, edge_index, W1l, b1l, W1r, W2l, b2l, W2r, Wo, bo):
    src = edge_index[0]
    dst = edge_index[1]
    h = jax.nn.relu(_sage_conv(x, src, dst, W1l, b1l, W1r))
    h = jax.nn.relu(_sage_conv(h, src, dst, W2l, b2l, W2r))
    out = h @ Wo.T + bo
    return jax.nn.sigmoid(out)

if __name__ == "__main__":
    import jax
    _d = setup_inputs()
    print(jax.jit(kernel)(*tuple(_d.values())))

</pallas_src>

<mosaic_0001>
#map = affine_map<(d0, d1) -> (0, 0)>
#map1 = affine_map<(d0, d1) -> (0)>
#map2 = affine_map<(d0, d1) -> (0, 0, 0)>
#map3 = affine_map<(d0, d1) -> (0, 0, 0, 0)>
module attributes {stable_mosaic.version = 14 : i64} {
  func.func @_seg_sum_body(%arg0: i32, %arg1: i32, %arg2: memref<10000x128xf32, #tpu.memory_space<hbm>>, %arg3: memref<320000xi32, #tpu.memory_space<hbm>>, %arg4: memref<320000xi32, #tpu.memory_space<hbm>>, %arg5: memref<320x128xf32, #tpu.memory_space<hbm>>, %arg6: memref<2x5000x128xf32, #tpu.memory_space<hbm>>, %arg7: memref<2x16x80x128xf32, #tpu.memory_space<hbm>>, %arg8: memref<20000xi32, #tpu.memory_space<vmem>>, %arg9: memref<20000xi32, #tpu.memory_space<vmem>>, %arg10: memref<80xi32, #tpu.memory_space<vmem>>, %arg11: memref<80xi32, #tpu.memory_space<vmem>>, %arg12: memref<80x128xf32, #tpu.memory_space<vmem>>, %arg13: memref<80x128xf32, #tpu.memory_space<vmem>>, %arg14: memref<80x128xf32, #tpu.memory_space<vmem>>, %arg15: memref<5008x128xf32, #tpu.memory_space<vmem_shared>>, %arg16: memref<!tpu.dma_semaphore, #tpu.memory_space<semaphore_mem>>, %arg17: memref<!tpu.dma_semaphore, #tpu.memory_space<semaphore_mem>>, %arg18: memref<!tpu.dma_semaphore, #tpu.memory_space<semaphore_mem>>, %arg19: memref<!tpu.dma_semaphore, #tpu.memory_space<semaphore_mem>>) attributes {dimension_semantics = [#tpu.dimension_semantics<core_parallel>, #tpu.dimension_semantics<subcore_parallel>], iteration_bounds = array<i64: 2, 16>, scalar_prefetch = 0 : i64, scratch_operands = 12 : i64, tpu.core_type = #tpu.core_type<sc_vector_subcore>, window_params = [{transform_indices = #map}, {transform_indices = #map1}, {transform_indices = #map1}, {transform_indices = #map}, {transform_indices = #map2}, {transform_indices = #map3}]} {
    %mul3A = arith.constant 20000 : i32
    %mul3A_0 = arith.muli %arg1, %mul3A : i32
    %mul3A_1 = arith.constant 312 : i32
    %mul3A_2 = arith.muli %arg1, %mul3A_1 : i32
    %mul3A_3 = arith.constant 5000 : i32
    %mul3A_4 = arith.muli %arg0, %mul3A_3 : i32
    %lt3A = arith.constant 15 : i32
    %lt3A_5 = arith.cmpi slt, %arg1, %lt3A : i32
    %convert_element_type3A = arith.extui %lt3A_5 : i1 to i32
    %cond3A = arith.constant 0 : i32
    %cond3A_6 = arith.cmpi ne, %convert_element_type3A, %cond3A : i32
    scf.if %cond3A_6 {
      "tpu.region"() ({
        %run_scoped3A = tpu.sem_alloc : memref<!tpu.dma_semaphore, #tpu.memory_space<semaphore_mem>>
        %dma_start3A_40 = arith.constant 0 : i32
        %dma_start3A_41 = tpu.memref_slice %arg15[%mul3A_2, %dma_start3A_40] : memref<5008x128xf32, #tpu.memory_space<vmem_shared>> -> memref<312x128xf32, #tpu.memory_space<vmem_shared>>
        %dma_start3A_42 = arith.constant 0 : i32
        %dma_start3A_43 = arith.constant 0 : i32
        %dma_start3A_44 = tpu.memref_slice %arg5[%dma_start3A_42, %dma_start3A_43] : memref<320x128xf32, #tpu.memory_space<hbm>> -> memref<312x128xf32, #tpu.memory_space<hbm>>
        tpu.enqueue_dma source(%dma_start3A_44 : memref<312x128xf32, #tpu.memory_space<hbm>>) target(%dma_start3A_41 : memref<312x128xf32, #tpu.memory_space<vmem_shared>>) target_semaphore(%run_scoped3A : memref<!tpu.dma_semaphore, #tpu.memory_space<semaphore_mem>>)
        %dma_wait3A_45 = arith.constant 0 : i32
        %dma_wait3A_46 = tpu.memref_slice %arg15[%mul3A_2, %dma_wait3A_45] : memref<5008x128xf32, #tpu.memory_space<vmem_shared>> -> memref<312x128xf32, #tpu.memory_space<vmem_shared>>
        %dma_wait3A_47 = arith.constant 0 : i32
        %dma_wait3A_48 = arith.constant 0 : i32
        %dma_wait3A_49 = tpu.memref_slice %arg5[%dma_wait3A_47, %dma_wait3A_48] : memref<320x128xf32, #tpu.memory_space<hbm>> -> memref<312x128xf32, #tpu.memory_space<hbm>>
        tpu.wait_dma2 semaphore(%run_scoped3A : memref<!tpu.dma_semaphore, #tpu.memory_space<semaphore_mem>>) src(%dma_wait3A_49 : memref<312x128xf32, #tpu.memory_space<hbm>>) dst(%dma_wait3A_46 : memref<312x128xf32, #tpu.memory_space<vmem_shared>>)
        tpu.yield
      }) : () -> ()
    } else {
    }
    %eq3A = arith.constant 15 : i32
    %eq3A_7 = arith.cmpi eq, %arg1, %eq3A : i32
    %convert_element_type3A_8 = arith.extui %eq3A_7 : i1 to i32
    %cond3A_9 = arith.constant 0 : i32
    %cond3A_10 = arith.cmpi ne, %convert_element_type3A_8, %cond3A_9 : i32
    scf.if %cond3A_10 {
      "tpu.region"() ({
        %run_scoped3A = tpu.sem_alloc : memref<!tpu.dma_semaphore, #tpu.memory_space<semaphore_mem>>
        %dma_start3A_40 = arith.constant 0 : i32
        %dma_start3A_41 = tpu.memref_slice %arg15[%mul3A_2, %dma_start3A_40] : memref<5008x128xf32, #tpu.memory_space<vmem_shared>> -> memref<320x128xf32, #tpu.memory_space<vmem_shared>>
        tpu.enqueue_dma source(%arg5 : memref<320x128xf32, #tpu.memory_space<hbm>>) target(%dma_start3A_41 : memref<320x128xf32, #tpu.memory_space<vmem_shared>>) target_semaphore(%run_scoped3A : memref<!tpu.dma_semaphore, #tpu.memory_space<semaphore_mem>>)
        %dma_wait3A_42 = arith.constant 0 : i32
        %dma_wait3A_43 = tpu.memref_slice %arg15[%mul3A_2, %dma_wait3A_42] : memref<5008x128xf32, #tpu.memory_space<vmem_shared>> -> memref<320x128xf32, #tpu.memory_space<vmem_shared>>
        tpu.wait_dma2 semaphore(%run_scoped3A : memref<!tpu.dma_semaphore, #tpu.memory_space<semaphore_mem>>) src(%arg5 : memref<320x128xf32, #tpu.memory_space<hbm>>) dst(%dma_wait3A_43 : memref<320x128xf32, #tpu.memory_space<vmem_shared>>)
        tpu.yield
      }) : () -> ()
    } else {
    }
    %broadcast_in_dim3A = arith.constant 0.000000e+00 : f32
    %broadcast_in_dim3A_11 = vector.broadcast %broadcast_in_dim3A : f32 to vector<16xf32>
    %scan3A = arith.constant 0 : i32
    %scan3A_12 = arith.constant 0 : i32
    %scan3A_13 = arith.constant 80 : i32
    %scan3A_14 = arith.addi %scan3A_12, %scan3A_13 : i32
    %scan3A_15 = arith.constant 1 : i32
    scf.for %scan3A_40 = %scan3A_12 to %scan3A_14 step %scan3A_15  : i32 {
      %swap3A = arith.index_cast %scan3A_40 : i32 to index
      %swap3A_41 = arith.constant 0 : index
      %swap3A_42 = tpu.vector_load %arg14[%swap3A, %swap3A_41] {strides = array<i32>} : memref<80x128xf32, #tpu.memory_space<vmem>>, vector<16xf32>,
      tpu.vector_store %arg14[%swap3A, %swap3A_41], %broadcast_in_dim3A_11 {strides = array<i32>} : memref<80x128xf32, #tpu.memory_space<vmem>>, vector<16xf32>,
      %swap3A_43 = arith.index_cast %scan3A_40 : i32 to index
      %swap3A_44 = arith.constant 16 : index
      %swap3A_45 = tpu.vector_load %arg14[%swap3A_43, %swap3A_44] {strides = array<i32>} : memref<80x128xf32, #tpu.memory_space<vmem>>, vector<16xf32>,
      tpu.vector_store %arg14[%swap3A_43, %swap3A_44], %broadcast_in_dim3A_11 {strides = array<i32>} : memref<80x128xf32, #tpu.memory_space<vmem>>, vector<16xf32>,
      %swap3A_46 = arith.index_cast %scan3A_40 : i32 to index
      %swap3A_47 = arith.constant 32 : index
      %swap3A_48 = tpu.vector_load %arg14[%swap3A_46, %swap3A_47] {strides = array<i32>} : memref<80x128xf32, #tpu.memory_space<vmem>>, vector<16xf32>,
      tpu.vector_store %arg14[%swap3A_46, %swap3A_47], %broadcast_in_dim3A_11 {strides = array<i32>} : memref<80x128xf32, #tpu.memory_space<vmem>>, vector<16xf32>,
      %swap3A_49 = arith.index_cast %scan3A_40 : i32 to index
      %swap3A_50 = arith.constant 48 : index
      %swap3A_51 = tpu.vector_load %arg14[%swap3A_49, %swap3A_50] {strides = array<i32>} : memref<80x128xf32, #tpu.memory_space<vmem>>, vector<16xf32>,
      tpu.vector_store %arg14[%swap3A_49, %swap3A_50], %broadcast_in_dim3A_11 {strides = array<i32>} : memref<80x128xf32, #tpu.memory_space<vmem>>, vector<16xf32>,
      %swap3A_52 = arith.index_cast %scan3A_40 : i32 to index
      %swap3A_53 = arith.constant 64 : index
      %swap3A_54 = tpu.vector_load %arg14[%swap3A_52, %swap3A_53] {strides = array<i32>} : memref<80x128xf32, #tpu.memory_space<vmem>>, vector<16xf32>,
      tpu.vector_store %arg14[%swap3A_52, %swap3A_53], %broadcast_in_dim3A_11 {strides = array<i32>} : memref<80x128xf32, #tpu.memory_space<vmem>>, vector<16xf32>,
      %swap3A_55 = arith.index_cast %scan3A_40 : i32 to index
      %swap3A_56 = arith.constant 80 : index
      %swap3A_57 = tpu.vector_load %arg14[%swap3A_55, %swap3A_56] {strides = array<i32>} : memref<80x128xf32, #tpu.memory_space<vmem>>, vector<16xf32>,
      tpu.vector_store %arg14[%swap3A_55, %swap3A_56], %broadcast_in_dim3A_11 {strides = array<i32>} : memref<80x128xf32, #tpu.memory_space<vmem>>, vector<16xf32>,
      %swap3A_58 = arith.index_cast %scan3A_40 : i32 to index
      %swap3A_59 = arith.constant 96 : index
      %swap3A_60 = tpu.vector_load %arg14[%swap3A_58, %swap3A_59] {strides = array<i32>} : memref<80x128xf32, #tpu.memory_space<vmem>>, vector<16xf32>,
      tpu.vector_store %arg14[%swap3A_58, %swap3A_59], %broadcast_in_dim3A_11 {strides = array<i32>} : memref<80x128xf32, #tpu.memory_space<vmem>>, vector<16xf32>,
      %swap3A_61 = arith.index_cast %scan3A_40 : i32 to index
      %swap3A_62 = arith.constant 112 : index
      %swap3A_63 = tpu.vector_load %arg14[%swap3A_61, %swap3A_62] {strides = array<i32>} : memref<80x128xf32, #tpu.memory_space<vmem>>, vector<16xf32>,
      tpu.vector_store %arg14[%swap3A_61, %swap3A_62], %broadcast_in_dim3A_11 {strides = array<i32>} : memref<80x128xf32, #tpu.memory_space<vmem>>, vector<16xf32>,
    }
    %scan3A_16 = arith.constant 80 : i32
    %barrier3A = arith.constant 0 : index
    tpu.barrier barrier_id(%barrier3A)
    "tpu.region"() ({
      %run_scoped3A = tpu.sem_alloc : memref<!tpu.dma_semaphore, #tpu.memory_space<semaphore_mem>>
      %dma_start3A_40 = tpu.memref_slice %arg3[%mul3A_0] : memref<320000xi32, #tpu.memory_space<hbm>> -> memref<20000xi32, #tpu.memory_space<hbm>>
      %dma_start3A_41 = tpu.memref_slice %arg3[%mul3A_0] : memref<320000xi32, #tpu.memory_space<hbm>> -> memref<20000xi32, #tpu.memory_space<hbm>>
      tpu.enqueue_dma source(%dma_start3A_41 : memref<20000xi32, #tpu.memory_space<hbm>>) target(%arg8 : memref<20000xi32, #tpu.memory_space<vmem>>) target_semaphore(%run_scoped3A : memref<!tpu.dma_semaphore, #tpu.memory_space<semaphore_mem>>)
      %dma_wait3A_42 = tpu.memref_slice %arg3[%mul3A_0] : memref<320000xi32, #tpu.memory_space<hbm>> -> memref<20000xi32, #tpu.memory_space<hbm>>
      %dma_wait3A_43 = tpu.memref_slice %arg3[%mul3A_0] : memref<320000xi32, #tpu.memory_space<hbm>> -> memref<20000xi32, #tpu.memory_space<hbm>>
      tpu.wait_dma2 semaphore(%run_scoped3A : memref<!tpu.dma_semaphore, #tpu.memory_space<semaphore_mem>>) src(%dma_wait3A_43 : memref<20000xi32, #tpu.memory_space<hbm>>) dst(%arg8 : memref<20000xi32, #tpu.memory_space<vmem>>)
      tpu.yield
    }) : () -> ()
    "tpu.region"() ({
      %run_scoped3A = tpu.sem_alloc : memref<!tpu.dma_semaphore, #tpu.memory_space<semaphore_mem>>
      %dma_start3A_40 = tpu.memref_slice %arg4[%mul3A_0] : memref<320000xi32, #tpu.memory_space<hbm>> -> memref<20000xi32, #tpu.memory_space<hbm>>
      %dma_start3A_41 = tpu.memref_slice %arg4[%mul3A_0] : memref<320000xi32, #tpu.memory_space<hbm>> -> memref<20000xi32, #tpu.memory_space<hbm>>
      tpu.enqueue_dma source(%dma_start3A_41 : memref<20000xi32, #tpu.memory_space<hbm>>) target(%arg9 : memref<20000xi32, #tpu.memory_space<vmem>>) target_semaphore(%run_scoped3A : memref<!tpu.dma_semaphore, #tpu.memory_space<semaphore_mem>>)
      %dma_wait3A_42 = tpu.memref_slice %arg4[%mul3A_0] : memref<320000xi32, #tpu.memory_space<hbm>> -> memref<20000xi32, #tpu.memory_space<hbm>>
      %dma_wait3A_43 = tpu.memref_slice %arg4[%mul3A_0] : memref<320000xi32, #tpu.memory_space<hbm>> -> memref<20000xi32, #tpu.memory_space<hbm>>
      tpu.wait_dma2 semaphore(%run_scoped3A : memref<!tpu.dma_semaphore, #tpu.memory_space<semaphore_mem>>) src(%dma_wait3A_43 : memref<20000xi32, #tpu.memory_space<hbm>>) dst(%arg9 : memref<20000xi32, #tpu.memory_space<vmem>>)
      tpu.yield
    }) : () -> ()
    %dma_start3A = arith.constant 0 : i32
    %dma_start3A_17 = tpu.memref_slice %arg8[%dma_start3A] : memref<20000xi32, #tpu.memory_space<vmem>> -> memref<80xi32, #tpu.memory_space<vmem>>
    %dma_start3A_18 = arith.constant 0 : i32
    %dma_start3A_19 = arith.constant 0 : i32
    %dma_start3A_20 = tpu.memref_slice %arg2[%dma_start3A_18, %dma_start3A_19] : memref<10000x128xf32, #tpu.memory_space<hbm>> -> memref<10000x128xf32, #tpu.memory_space<hbm>>
    tpu.enqueue_indirect_dma source(%dma_start3A_20 : memref<10000x128xf32, #tpu.memory_space<hbm>>) target(%arg12 : memref<80x128xf32, #tpu.memory_space<vmem>>) offsets(%dma_start3A_17 : memref<80xi32, #tpu.memory_space<vmem>>) semaphore(%arg16 : memref<!tpu.dma_semaphore, #tpu.memory_space<semaphore_mem>>)
    %scan3A_21 = arith.constant 0 : i32
    %scan3A_22 = arith.constant 0 : i32
    %scan3A_23 = arith.constant 250 : i32
    %scan3A_24 = arith.addi %scan3A_22, %scan3A_23 : i32
    %scan3A_25 = arith.constant 1 : i32
    scf.for %scan3A_40 = %scan3A_22 to %scan3A_24 step %scan3A_25  : i32 {
      %rem3A = arith.constant 2 : i32
      %rem3A_41 = arith.remsi %scan3A_40, %rem3A : i32
      %eq3A_42 = arith.constant 0 : i32
      %eq3A_43 = arith.cmpi eq, %rem3A_41, %eq3A_42 : i32
      %convert_element_type3A_44 = arith.extui %eq3A_43 : i1 to i32
      %cond3A_45 = arith.constant 0 : i32
      %cond3A_46 = arith.cmpi ne, %convert_element_type3A_44, %cond3A_45 : i32
      scf.if %cond3A_46 {
        %mul3A_51 = arith.constant 80 : i32
        %mul3A_52 = arith.muli %scan3A_40, %mul3A_51 : i32
        %add3A = arith.constant 0 : i32
        %add3A_53 = arith.addi %mul3A_52, %add3A : i32
        %get3A = arith.index_cast %add3A_53 : i32 to index
        %get3A_54 = tpu.vector_load %arg9[%get3A] {strides = array<i32>} : memref<20000xi32, #tpu.memory_space<vmem>>, vector<16xi32>,
        %sub3A = vector.broadcast %mul3A_4 : i32 to vector<16xi32>
        %sub3A_55 = arith.subi %get3A_54, %sub3A : vector<16xi32>
        %ge3A = arith.constant 0 : i32
        %ge3A_56 = vector.broadcast %ge3A : i32 to vector<16xi32>
        %ge3A_57 = arith.cmpi sge, %sub3A_55, %ge3A_56 : vector<16xi32>
        %lt3A_58 = arith.constant 5000 : i32
        %lt3A_59 = vector.broadcast %lt3A_58 : i32 to vector<16xi32>
        %lt3A_60 = arith.cmpi slt, %sub3A_55, %lt3A_59 : vector<16xi32>
        %and3A = arith.andi %ge3A_57, %lt3A_60 : vector<16xi1>
        %jit3A = arith.constant 5000 : i32
        %broadcast_in_dim3A_61 = vector.broadcast %jit3A : i32 to vector<16xi32>
        %select_n3A = arith.select %and3A, %sub3A_55, %broadcast_in_dim3A_61 : vector<16xi1>, vector<16xi32>
        %swap3A = arith.constant 0 : index
        %swap3A_62 = tpu.vector_load %arg10[%swap3A] {strides = array<i32>} : memref<80xi32, #tpu.memory_space<vmem>>, vector<16xi32>,
        tpu.vector_store %arg10[%swap3A], %select_n3A {strides = array<i32>} : memref<80xi32, #tpu.memory_space<vmem>>, vector<16xi32>,
        %broadcast_in_dim3A_63 = arith.constant true
        %broadcast_in_dim3A_64 = vector.broadcast %broadcast_in_dim3A_63 : i1 to vector<16xi1>
        %unique3A, %unique3A_65 = tpu.scan_count mask(%broadcast_in_dim3A_64 : vector<16xi1>) value(%get3A_54 : vector<16xi32>) : vector<16xi1>, vector<16xi32>
        %shift_right_logical3A = arith.constant 7 : i32
        %shift_right_logical3A_66 = vector.broadcast %shift_right_logical3A : i32 to vector<16xi32>
        %shift_right_logical3A_67 = arith.shrui %get3A_54, %shift_right_logical3A_66 : vector<16xi32>
        %and3A_68 = arith.constant 127 : i32
        %and3A_69 = vector.broadcast %and3A_68 : i32 to vector<16xi32>
        %and3A_70 = arith.andi %get3A_54, %and3A_69 : vector<16xi32>
        %convert_element_type3A_71 = arith.sitofp %unique3A_65 : vector<16xi32> to vector<16xf32>
        tpu.vector_store_idx %arg14[%shift_right_logical3A_67, %and3A_70], %convert_element_type3A_71 masked %unique3A {add = true} : memref<80x128xf32, #tpu.memory_space<vmem>>[vector<16xi32>, vector<16xi32>], vector<16xf32>, vector<16xi1>
        %mul3A_72 = arith.constant 80 : i32
        %mul3A_73 = arith.muli %scan3A_40, %mul3A_72 : i32
        %add3A_74 = arith.constant 16 : i32
        %add3A_75 = arith.addi %mul3A_73, %add3A_74 : i32
        %get3A_76 = arith.index_cast %add3A_75 : i32 to index
        %get3A_77 = tpu.vector_load %arg9[%get3A_76] {strides = array<i32>} : memref<20000xi32, #tpu.memory_space<vmem>>, vector<16xi32>,
        %sub3A_78 = vector.broadcast %mul3A_4 : i32 to vector<16xi32>
        %sub3A_79 = arith.subi %get3A_77, %sub3A_78 : vector<16xi32>
        %ge3A_80 = arith.constant 0 : i32
        %ge3A_81 = vector.broadcast %ge3A_80 : i32 to vector<16xi32>
        %ge3A_82 = arith.cmpi sge, %sub3A_79, %ge3A_81 : vector<16xi32>
        %lt3A_83 = arith.constant 5000 : i32
        %lt3A_84 = vector.broadcast %lt3A_83 : i32 to vector<16xi32>
        %lt3A_85 = arith.cmpi slt, %sub3A_79, %lt3A_84 : vector<16xi32>
        %and3A_86 = arith.andi %ge3A_82, %lt3A_85 : vector<16xi1>
        %jit3A_87 = arith.constant 5000 : i32
        %broadcast_in_dim3A_88 = vector.broadcast %jit3A_87 : i32 to vector<16xi32>
        %select_n3A_89 = arith.select %and3A_86, %sub3A_79, %broadcast_in_dim3A_88 : vector<16xi1>, vector<16xi32>
        %swap3A_90 = arith.constant 16 : index
        %swap3A_91 = tpu.vector_load %arg10[%swap3A_90] {strides = array<i32>} : memref<80xi32, #tpu.memory_space<vmem>>, vector<16xi32>,
        tpu.vector_store %arg10[%swap3A_90], %select_n3A_89 {strides = array<i32>} : memref<80xi32, #tpu.memory_space<vmem>>, vector<16xi32>,
        %broadcast_in_dim3A_92 = arith.constant true
        %broadcast_in_dim3A_93 = vector.broadcast %broadcast_in_dim3A_92 : i1 to vector<16xi1>
        %unique3A_94, %unique3A_95 = tpu.scan_count mask(%broadcast_in_dim3A_93 : vector<16xi1>) value(%get3A_77 : vector<16xi32>) : vector<16xi1>, vector<16xi32>
        %shift_right_logical3A_96 = arith.constant 7 : i32
        %shift_right_logical3A_97 = vector.broadcast %shift_right_logical3A_96 : i32 to vector<16xi32>
        %shift_right_logical3A_98 = arith.shrui %get3A_77, %shift_right_logical3A_97 : vector<16xi32>
        %and3A_99 = arith.constant 127 : i32
        %and3A_100 = vector.broadcast %and3A_99 : i32 to vector<16xi32>
        %and3A_101 = arith.andi %get3A_77, %and3A_100 : vector<16xi32>
        %convert_element_type3A_102 = arith.sitofp %unique3A_95 : vector<16xi32> to vector<16xf32>
        tpu.vector_store_idx %arg14[%shift_right_logical3A_98, %and3A_101], %convert_element_type3A_102 masked %unique3A_94 {add = true} : memref<80x128xf32, #tpu.memory_space<vmem>>[vector<16xi32>, vector<16xi32>], vector<16xf32>, vector<16xi1>
        %mul3A_103 = arith.constant 80 : i32
        %mul3A_104 = arith.muli %scan3A_40, %mul3A_103 : i32
        %add3A_105 = arith.constant 32 : i32
        %add3A_106 = arith.addi %mul3A_104, %add3A_105 : i32
        %get3A_107 = arith.index_cast %add3A_106 : i32 to index
        %get3A_108 = tpu.vector_load %arg9[%get3A_107] {strides = array<i32>} : memref<20000xi32, #tpu.memory_space<vmem>>, vector<16xi32>,
        %sub3A_109 = vector.broadcast %mul3A_4 : i32 to vector<16xi32>
        %sub3A_110 = arith.subi %get3A_108, %sub3A_109 : vector<16xi32>
        %ge3A_111 = arith.constant 0 : i32
        %ge3A_112 = vector.broadcast %ge3A_111 : i32 to vector<16xi32>
        %ge3A_113 = arith.cmpi sge, %sub3A_110, %ge3A_112 : vector<16xi32>
        %lt3A_114 = arith.constant 5000 : i32
        %lt3A_115 = vector.broadcast %lt3A_114 : i32 to vector<16xi32>
        %lt3A_116 = arith.cmpi slt, %sub3A_110, %lt3A_115 : vector<16xi32>
        %and3A_117 = arith.andi %ge3A_113, %lt3A_116 : vector<16xi1>
        %jit3A_118 = arith.constant 5000 : i32
        %broadcast_in_dim3A_119 = vector.broadcast %jit3A_118 : i32 to vector<16xi32>
        %select_n3A_120 = arith.select %and3A_117, %sub3A_110, %broadcast_in_dim3A_119 : vector<16xi1>, vector<16xi32>
        %swap3A_121 = arith.constant 32 : index
        %swap3A_122 = tpu.vector_load %arg10[%swap3A_121] {strides = array<i32>} : memref<80xi32, #tpu.memory_space<vmem>>, vector<16xi32>,
        tpu.vector_store %arg10[%swap3A_121], %select_n3A_120 {strides = array<i32>} : memref<80xi32, #tpu.memory_space<vmem>>, vector<16xi32>,
        %broadcast_in_dim3A_123 = arith.constant true
        %broadcast_in_dim3A_124 = vector.broadcast %broadcast_in_dim3A_123 : i1 to vector<16xi1>
        %unique3A_125, %unique3A_126 = tpu.scan_count mask(%broadcast_in_dim3A_124 : vector<16xi1>) value(%get3A_108 : vector<16xi32>) : vector<16xi1>, vector<16xi32>
        %shift_right_logical3A_127 = arith.constant 7 : i32
        %shift_right_logical3A_128 = vector.broadcast %shift_right_logical3A_127 : i32 to vector<16xi32>
        %shift_right_logical3A_129 = arith.shrui %get3A_108, %shift_right_logical3A_128 : vector<16xi32>
        %and3A_130 = arith.constant 127 : i32
        %and3A_131 = vector.broadcast %and3A_130 : i32 to vector<16xi32>
        %and3A_132 = arith.andi %get3A_108, %and3A_131 : vector<16xi32>
        %convert_element_type3A_133 = arith.sitofp %unique3A_126 : vector<16xi32> to vector<16xf32>
        tpu.vector_store_idx %arg14[%shift_right_logical3A_129, %and3A_132], %convert_element_type3A_133 masked %unique3A_125 {add = true} : memref<80x128xf32, #tpu.memory_space<vmem>>[vector<16xi32>, vector<16xi32>], vector<16xf32>, vector<16xi1>
        %mul3A_134 = arith.constant 80 : i32
        %mul3A_135 = arith.muli %scan3A_40, %mul3A_134 : i32
        %add3A_136 = arith.constant 48 : i32
        %add3A_137 = arith.addi %mul3A_135, %add3A_136 : i32
        %get3A_138 = arith.index_cast %add3A_137 : i32 to index
        %get3A_139 = tpu.vector_load %arg9[%get3A_138] {strides = array<i32>} : memref<20000xi32, #tpu.memory_space<vmem>>, vector<16xi32>,
        %sub3A_140 = vector.broadcast %mul3A_4 : i32 to vector<16xi32>
        %sub3A_141 = arith.subi %get3A_139, %sub3A_140 : vector<16xi32>
        %ge3A_142 = arith.constant 0 : i32
        %ge3A_143 = vector.broadcast %ge3A_142 : i32 to vector<16xi32>
        %ge3A_144 = arith.cmpi sge, %sub3A_141, %ge3A_143 : vector<16xi32>
        %lt3A_145 = arith.constant 5000 : i32
        %lt3A_146 = vector.broadcast %lt3A_145 : i32 to vector<16xi32>
        %lt3A_147 = arith.cmpi slt, %sub3A_141, %lt3A_146 : vector<16xi32>
        %and3A_148 = arith.andi %ge3A_144, %lt3A_147 : vector<16xi1>
        %jit3A_149 = arith.constant 5000 : i32
        %broadcast_in_dim3A_150 = vector.broadcast %jit3A_149 : i32 to vector<16xi32>
        %select_n3A_151 = arith.select %and3A_148, %sub3A_141, %broadcast_in_dim3A_150 : vector<16xi1>, vector<16xi32>
        %swap3A_152 = arith.constant 48 : index
        %swap3A_153 = tpu.vector_load %arg10[%swap3A_152] {strides = array<i32>} : memref<80xi32, #tpu.memory_space<vmem>>, vector<16xi32>,
        tpu.vector_store %arg10[%swap3A_152], %select_n3A_151 {strides = array<i32>} : memref<80xi32, #tpu.memory_space<vmem>>, vector<16xi32>,
        %broadcast_in_dim3A_154 = arith.constant true
        %broadcast_in_dim3A_155 = vector.broadcast %broadcast_in_dim3A_154 : i1 to vector<16xi1>
        %unique3A_156, %unique3A_157 = tpu.scan_count mask(%broadcast_in_dim3A_155 : vector<16xi1>) value(%get3A_139 : vector<16xi32>) : vector<16xi1>, vector<16xi32>
        %shift_right_logical3A_158 = arith.constant 7 : i32
        %shift_right_logical3A_159 = vector.broadcast %shift_right_logical3A_158 : i32 to vector<16xi32>
        %shift_right_logical3A_160 = arith.shrui %get3A_139, %shift_right_logical3A_159 : vector<16xi32>
        %and3A_161 = arith.constant 127 : i32
        %and3A_162 = vector.broadcast %and3A_161 : i32 to vector<16xi32>
        %and3A_163 = arith.andi %get3A_139, %and3A_162 : vector<16xi32>
        %convert_element_type3A_164 = arith.sitofp %unique3A_157 : vector<16xi32> to vector<16xf32>
        tpu.vector_store_idx %arg14[%shift_right_logical3A_160, %and3A_163], %convert_element_type3A_164 masked %unique3A_156 {add = true} : memref<80x128xf32, #tpu.memory_space<vmem>>[vector<16xi32>, vector<16xi32>], vector<16xf32>, vector<16xi1>
        %mul3A_165 = arith.constant 80 : i32
        %mul3A_166 = arith.muli %scan3A_40, %mul3A_165 : i32
        %add3A_167 = arith.constant 64 : i32
        %add3A_168 = arith.addi %mul3A_166, %add3A_167 : i32
        %get3A_169 = arith.index_cast %add3A_168 : i32 to index
        %get3A_170 = tpu.vector_load %arg9[%get3A_169] {strides = array<i32>} : memref<20000xi32, #tpu.memory_space<vmem>>, vector<16xi32>,
        %sub3A_171 = vector.broadcast %mul3A_4 : i32 to vector<16xi32>
        %sub3A_172 = arith.subi %get3A_170, %sub3A_171 : vector<16xi32>
        %ge3A_173 = arith.constant 0 : i32
        %ge3A_174 = vector.broadcast %ge3A_173 : i32 to vector<16xi32>
        %ge3A_175 = arith.cmpi sge, %sub3A_172, %ge3A_174 : vector<16xi32>
        %lt3A_176 = arith.constant 5000 : i32
        %lt3A_177 = vector.broadcast %lt3A_176 : i32 to vector<16xi32>
        %lt3A_178 = arith.cmpi slt, %sub3A_172, %lt3A_177 : vector<16xi32>
        %and3A_179 = arith.andi %ge3A_175, %lt3A_178 : vector<16xi1>
        %jit3A_180 = arith.constant 5000 : i32
        %broadcast_in_dim3A_181 = vector.broadcast %jit3A_180 : i32 to vector<16xi32>
        %select_n3A_182 = arith.select %and3A_179, %sub3A_172, %broadcast_in_dim3A_181 : vector<16xi1>, vector<16xi32>
        %swap3A_183 = arith.constant 64 : index
        %swap3A_184 = tpu.vector_load %arg10[%swap3A_183] {strides = array<i32>} : memref<80xi32, #tpu.memory_space<vmem>>, vector<16xi32>,
        tpu.vector_store %arg10[%swap3A_183], %select_n3A_182 {strides = array<i32>} : memref<80xi32, #tpu.memory_space<vmem>>, vector<16xi32>,
        %broadcast_in_dim3A_185 = arith.constant true
        %broadcast_in_dim3A_186 = vector.broadcast %broadcast_in_dim3A_185 : i1 to vector<16xi1>
        %unique3A_187, %unique3A_188 = tpu.scan_count mask(%broadcast_in_dim3A_186 : vector<16xi1>) value(%get3A_170 : vector<16xi32>) : vector<16xi1>, vector<16xi32>
        %shift_right_logical3A_189 = arith.constant 7 : i32
        %shift_right_logical3A_190 = vector.broadcast %shift_right_logical3A_189 : i32 to vector<16xi32>
        %shift_right_logical3A_191 = arith.shrui %get3A_170, %shift_right_logical3A_190 : vector<16xi32>
        %and3A_192 = arith.constant 127 : i32
        %and3A_193 = vector.broadcast %and3A_192 : i32 to vector<16xi32>
        %and3A_194 = arith.andi %get3A_170, %and3A_193 : vector<16xi32>
        %convert_element_type3A_195 = arith.sitofp %unique3A_188 : vector<16xi32> to vector<16xf32>
        tpu.vector_store_idx %arg14[%shift_right_logical3A_191, %and3A_194], %convert_element_type3A_195 masked %unique3A_187 {add = true} : memref<80x128xf32, #tpu.memory_space<vmem>>[vector<16xi32>, vector<16xi32>], vector<16xf32>, vector<16xi1>
        %dma_wait3A_196 = arith.constant 0 : i32
        %dma_wait3A_197 = tpu.memref_slice %arg8[%dma_wait3A_196] : memref<20000xi32, #tpu.memory_space<vmem>> -> memref<80xi32, #tpu.memory_space<vmem>>
        %dma_wait3A_198 = arith.constant 0 : i32
        %dma_wait3A_199 = arith.constant 0 : i32
        %dma_wait3A_200 = tpu.memref_slice %arg2[%dma_wait3A_198, %dma_wait3A_199] : memref<10000x128xf32, #tpu.memory_space<hbm>> -> memref<10000x128xf32, #tpu.memory_space<hbm>>
        tpu.wait_indirect_dma semaphore(%arg16 : memref<!tpu.dma_semaphore, #tpu.memory_space<semaphore_mem>>) src(%dma_wait3A_200 : memref<10000x128xf32, #tpu.memory_space<hbm>>) dst(%arg12 : memref<80x128xf32, #tpu.memory_space<vmem>>)
        %dma_start3A_201 = arith.constant 0 : i32
        %dma_start3A_202 = arith.constant 0 : i32
        %dma_start3A_203 = tpu.memref_slice %arg15[%dma_start3A_201, %dma_start3A_202] : memref<5008x128xf32, #tpu.memory_space<vmem_shared>> -> memref<5008x128xf32, #tpu.memory_space<vmem_shared>>
        tpu.enqueue_indirect_dma source(%arg12 : memref<80x128xf32, #tpu.memory_space<vmem>>) target(%dma_start3A_203 : memref<5008x128xf32, #tpu.memory_space<vmem_shared>>) offsets(%arg10 : memref<80xi32, #tpu.memory_space<vmem>>) semaphore(%arg18 : memref<!tpu.dma_semaphore, #tpu.memory_space<semaphore_mem>>) {add = true}
        %ge3A_204 = arith.constant 1 : i32
        %ge3A_205 = arith.cmpi sge, %scan3A_40, %ge3A_204 : i32
        %convert_element_type3A_206 = arith.extui %ge3A_205 : i1 to i32
        %cond3A_207 = arith.constant 0 : i32
        %cond3A_208 = arith.cmpi ne, %convert_element_type3A_206, %cond3A_207 : i32
        scf.if %cond3A_208 {
          %dma_wait3A_216 = arith.constant 0 : i32
          %dma_wait3A_217 = arith.constant 0 : i32
          %dma_wait3A_218 = tpu.memref_slice %arg15[%dma_wait3A_216, %dma_wait3A_217] : memref<5008x128xf32, #tpu.memory_space<vmem_shared>> -> memref<5008x128xf32, #tpu.memory_space<vmem_shared>>
          tpu.wait_indirect_dma semaphore(%arg19 : memref<!tpu.dma_semaphore, #tpu.memory_space<semaphore_mem>>) src(%arg13 : memref<80x128xf32, #tpu.memory_space<vmem>>) dst(%dma_wait3A_218 : memref<5008x128xf32, #tpu.memory_space<vmem_shared>>)
        } else {
        }
        %add3A_209 = arith.constant 1 : i32
        %add3A_210 = arith.addi %scan3A_40, %add3A_209 : i32
        %lt3A_211 = arith.constant 250 : i32
        %lt3A_212 = arith.cmpi slt, %add3A_210, %lt3A_211 : i32
        %convert_element_type3A_213 = arith.extui %lt3A_212 : i1 to i32
        %cond3A_214 = arith.constant 0 : i32
        %cond3A_215 = arith.cmpi ne, %convert_element_type3A_213, %cond3A_214 : i32
        scf.if %cond3A_215 {
          %add3A_216 = arith.constant 1 : i32
          %add3A_217 = arith.addi %scan3A_40, %add3A_216 : i32
          %mul3A_218 = arith.constant 80 : i32
          %mul3A_219 = arith.muli %add3A_217, %mul3A_218 : i32
          %dma_start3A_220 = tpu.memref_slice %arg8[%mul3A_219] : memref<20000xi32, #tpu.memory_space<vmem>> -> memref<80xi32, #tpu.memory_space<vmem>>
          %dma_start3A_221 = arith.constant 0 : i32
          %dma_start3A_222 = arith.constant 0 : i32
          %dma_start3A_223 = tpu.memref_slice %arg2[%dma_start3A_221, %dma_start3A_222] : memref<10000x128xf32, #tpu.memory_space<hbm>> -> memref<10000x128xf32, #tpu.memory_space<hbm>>
          tpu.enqueue_indirect_dma source(%dma_start3A_223 : memref<10000x128xf32, #tpu.memory_space<hbm>>) target(%arg13 : memref<80x128xf32, #tpu.memory_space<vmem>>) offsets(%dma_start3A_220 : memref<80xi32, #tpu.memory_space<vmem>>) semaphore(%arg17 : memref<!tpu.dma_semaphore, #tpu.memory_space<semaphore_mem>>)
        } else {
        }
      } else {
      }
      %not3A = arith.constant true
      %not3A_47 = arith.xori %eq3A_43, %not3A : i1
      %convert_element_type3A_48 = arith.extui %not3A_47 : i1 to i32
      %cond3A_49 = arith.constant 0 : i32
      %cond3A_50 = arith.cmpi ne, %convert_element_type3A_48, %cond3A_49 : i32
      scf.if %cond3A_50 {
        %mul3A_51 = arith.constant 80 : i32
        %mul3A_52 = arith.muli %scan3A_40, %mul3A_51 : i32
        %add3A = arith.constant 0 : i32
        %add3A_53 = arith.addi %mul3A_52, %add3A : i32
        %get3A = arith.index_cast %add3A_53 : i32 to index
        %get3A_54 = tpu.vector_load %arg9[%get3A] {strides = array<i32>} : memref<20000xi32, #tpu.memory_space<vmem>>, vector<16xi32>,
        %sub3A = vector.broadcast %mul3A_4 : i32 to vector<16xi32>
        %sub3A_55 = arith.subi %get3A_54, %sub3A : vector<16xi32>
        %ge3A = arith.constant 0 : i32
        %ge3A_56 = vector.broadcast %ge3A : i32 to vector<16xi32>
        %ge3A_57 = arith.cmpi sge, %sub3A_55, %ge3A_56 : vector<16xi32>
        %lt3A_58 = arith.constant 5000 : i32
        %lt3A_59 = vector.broadcast %lt3A_58 : i32 to vector<16xi32>
        %lt3A_60 = arith.cmpi slt, %sub3A_55, %lt3A_59 : vector<16xi32>
        %and3A = arith.andi %ge3A_57, %lt3A_60 : vector<16xi1>
        %jit3A = arith.constant 5000 : i32
        %broadcast_in_dim3A_61 = vector.broadcast %jit3A : i32 to vector<16xi32>
        %select_n3A = arith.select %and3A, %sub3A_55, %broadcast_in_dim3A_61 : vector<16xi1>, vector<16xi32>
        %swap3A = arith.constant 0 : index
        %swap3A_62 = tpu.vector_load %arg11[%swap3A] {strides = array<i32>} : memref<80xi32, #tpu.memory_space<vmem>>, vector<16xi32>,
        tpu.vector_store %arg11[%swap3A], %select_n3A {strides = array<i32>} : memref<80xi32, #tpu.memory_space<vmem>>, vector<16xi32>,
        %broadcast_in_dim3A_63 = arith.constant true
        %broadcast_in_dim3A_64 = vector.broadcast %broadcast_in_dim3A_63 : i1 to vector<16xi1>
        %unique3A, %unique3A_65 = tpu.scan_count mask(%broadcast_in_dim3A_64 : vector<16xi1>) value(%get3A_54 : vector<16xi32>) : vector<16xi1>, vector<16xi32>
        %shift_right_logical3A = arith.constant 7 : i32
        %shift_right_logical3A_66 = vector.broadcast %shift_right_logical3A : i32 to vector<16xi32>
        %shift_right_logical3A_67 = arith.shrui %get3A_54, %shift_right_logical3A_66 : vector<16xi32>
        %and3A_68 = arith.constant 127 : i32
        %and3A_69 = vector.broadcast %and3A_68 : i32 to vector<16xi32>
        %and3A_70 = arith.andi %get3A_54, %and3A_69 : vector<16xi32>
        %convert_element_type3A_71 = arith.sitofp %unique3A_65 : vector<16xi32> to vector<16xf32>
        tpu.vector_store_idx %arg14[%shift_right_logical3A_67, %and3A_70], %convert_element_type3A_71 masked %unique3A {add = true} : memref<80x128xf32, #tpu.memory_space<vmem>>[vector<16xi32>, vector<16xi32>], vector<16xf32>, vector<16xi1>
        %mul3A_72 = arith.constant 80 : i32
        %mul3A_73 = arith.muli %scan3A_40, %mul3A_72 : i32
        %add3A_74 = arith.constant 16 : i32
        %add3A_75 = arith.addi %mul3A_73, %add3A_74 : i32
        %get3A_76 = arith.index_cast %add3A_75 : i32 to index
        %get3A_77 = tpu.vector_load %arg9[%get3A_76] {strides = array<i32>} : memref<20000xi32, #tpu.memory_space<vmem>>, vector<16xi32>,
        %sub3A_78 = vector.broadcast %mul3A_4 : i32 to vector<16xi32>
        %sub3A_79 = arith.subi %get3A_77, %sub3A_78 : vector<16xi32>
        %ge3A_80 = arith.constant 0 : i32
        %ge3A_81 = vector.broadcast %ge3A_80 : i32 to vector<16xi32>
        %ge3A_82 = arith.cmpi sge, %sub3A_79, %ge3A_81 : vector<16xi32>
        %lt3A_83 = arith.constant 5000 : i32
        %lt3A_84 = vector.broadcast %lt3A_83 : i32 to vector<16xi32>
        %lt3A_85 = arith.cmpi slt, %sub3A_79, %lt3A_84 : vector<16xi32>
        %and3A_86 = arith.andi %ge3A_82, %lt3A_85 : vector<16xi1>
        %jit3A_87 = arith.constant 5000 : i32
        %broadcast_in_dim3A_88 = vector.broadcast %jit3A_87 : i32 to vector<16xi32>
        %select_n3A_89 = arith.select %and3A_86, %sub3A_79, %broadcast_in_dim3A_88 : vector<16xi1>, vector<16xi32>
        %swap3A_90 = arith.constant 16 : index
        %swap3A_91 = tpu.vector_load %arg11[%swap3A_90] {strides = array<i32>} : memref<80xi32, #tpu.memory_space<vmem>>, vector<16xi32>,
        tpu.vector_store %arg11[%swap3A_90], %select_n3A_89 {strides = array<i32>} : memref<80xi32, #tpu.memory_space<vmem>>, vector<16xi32>,
        %broadcast_in_dim3A_92 = arith.constant true
        %broadcast_in_dim3A_93 = vector.broadcast %broadcast_in_dim3A_92 : i1 to vector<16xi1>
        %unique3A_94, %unique3A_95 = tpu.scan_count mask(%broadcast_in_dim3A_93 : vector<16xi1>) value(%get3A_77 : vector<16xi32>) : vector<16xi1>, vector<16xi32>
        %shift_right_logical3A_96 = arith.constant 7 : i32
        %shift_right_logical3A_97 = vector.broadcast %shift_right_logical3A_96 : i32 to vector<16xi32>
        %shift_right_logical3A_98 = arith.shrui %get3A_77, %shift_right_logical3A_97 : vector<16xi32>
        %and3A_99 = arith.constant 127 : i32
        %and3A_100 = vector.broadcast %and3A_99 : i32 to vector<16xi32>
        %and3A_101 = arith.andi %get3A_77, %and3A_100 : vector<16xi32>
        %convert_element_type3A_102 = arith.sitofp %unique3A_95 : vector<16xi32> to vector<16xf32>
        tpu.vector_store_idx %arg14[%shift_right_logical3A_98, %and3A_101], %convert_element_type3A_102 masked %unique3A_94 {add = true} : memref<80x128xf32, #tpu.memory_space<vmem>>[vector<16xi32>, vector<16xi32>], vector<16xf32>, vector<16xi1>
        %mul3A_103 = arith.constant 80 : i32
        %mul3A_104 = arith.muli %scan3A_40, %mul3A_103 : i32
        %add3A_105 = arith.constant 32 : i32
        %add3A_106 = arith.addi %mul3A_104, %add3A_105 : i32
        %get3A_107 = arith.index_cast %add3A_106 : i32 to index
        %get3A_108 = tpu.vector_load %arg9[%get3A_107] {strides = array<i32>} : memref<20000xi32, #tpu.memory_space<vmem>>, vector<16xi32>,
        %sub3A_109 = vector.broadcast %mul3A_4 : i32 to vector<16xi32>
        %sub3A_110 = arith.subi %get3A_108, %sub3A_109 : vector<16xi32>
        %ge3A_111 = arith.constant 0 : i32
        %ge3A_112 = vector.broadcast %ge3A_111 : i32 to vector<16xi32>
        %ge3A_113 = arith.cmpi sge, %sub3A_110, %ge3A_112 : vector<16xi32>
        %lt3A_114 = arith.constant 5000 : i32
        %lt3A_115 = vector.broadcast %lt3A_114 : i32 to vector<16xi32>
        %lt3A_116 = arith.cmpi slt, %sub3A_110, %lt3A_115 : vector<16xi32>
        %and3A_117 = arith.andi %ge3A_113, %lt3A_116 : vector<16xi1>
        %jit3A_118 = arith.constant 5000 : i32
        %broadcast_in_dim3A_119 = vector.broadcast %jit3A_118 : i32 to vector<16xi32>
        %select_n3A_120 = arith.select %and3A_117, %sub3A_110, %broadcast_in_dim3A_119 : vector<16xi1>, vector<16xi32>
        %swap3A_121 = arith.constant 32 : index
        %swap3A_122 = tpu.vector_load %arg11[%swap3A_121] {strides = array<i32>} : memref<80xi32, #tpu.memory_space<vmem>>, vector<16xi32>,
        tpu.vector_store %arg11[%swap3A_121], %select_n3A_120 {strides = array<i32>} : memref<80xi32, #tpu.memory_space<vmem>>, vector<16xi32>,
        %broadcast_in_dim3A_123 = arith.constant true
        %broadcast_in_dim3A_124 = vector.broadcast %broadcast_in_dim3A_123 : i1 to vector<16xi1>
        %unique3A_125, %unique3A_126 = tpu.scan_count mask(%broadcast_in_dim3A_124 : vector<16xi1>) value(%get3A_108 : vector<16xi32>) : vector<16xi1>, vector<16xi32>
        %shift_right_logical3A_127 = arith.constant 7 : i32
        %shift_right_logical3A_128 = vector.broadcast %shift_right_logical3A_127 : i32 to vector<16xi32>
        %shift_right_logical3A_129 = arith.shrui %get3A_108, %shift_right_logical3A_128 : vector<16xi32>
        %and3A_130 = arith.constant 127 : i32
        %and3A_131 = vector.broadcast %and3A_130 : i32 to vector<16xi32>
        %and3A_132 = arith.andi %get3A_108, %and3A_131 : vector<16xi32>
        %convert_element_type3A_133 = arith.sitofp %unique3A_126 : vector<16xi32> to vector<16xf32>
        tpu.vector_store_idx %arg14[%shift_right_logical3A_129, %and3A_132], %convert_element_type3A_133 masked %unique3A_125 {add = true} : memref<80x128xf32, #tpu.memory_space<vmem>>[vector<16xi32>, vector<16xi32>], vector<16xf32>, vector<16xi1>
        %mul3A_134 = arith.constant 80 : i32
        %mul3A_135 = arith.muli %scan3A_40, %mul3A_134 : i32
        %add3A_136 = arith.constant 48 : i32
        %add3A_137 = arith.addi %mul3A_135, %add3A_136 : i32
        %get3A_138 = arith.index_cast %add3A_137 : i32 to index
        %get3A_139 = tpu.vector_load %arg9[%get3A_138] {strides = array<i32>} : memref<20000xi32, #tpu.memory_space<vmem>>, vector<16xi32>,
        %sub3A_140 = vector.broadcast %mul3A_4 : i32 to vector<16xi32>
        %sub3A_141 = arith.subi %get3A_139, %sub3A_140 : vector<16xi32>
        %ge3A_142 = arith.constant 0 : i32
        %ge3A_143 = vector.broadcast %ge3A_142 : i32 to vector<16xi32>
        %ge3A_144 = arith.cmpi sge, %sub3A_141, %ge3A_143 : vector<16xi32>
        %lt3A_145 = arith.constant 5000 : i32
        %lt3A_146 = vector.broadcast %lt3A_145 : i32 to vector<16xi32>
        %lt3A_147 = arith.cmpi slt, %sub3A_141, %lt3A_146 : vector<16xi32>
        %and3A_148 = arith.andi %ge3A_144, %lt3A_147 : vector<16xi1>
        %jit3A_149 = arith.constant 5000 : i32
        %broadcast_in_dim3A_150 = vector.broadcast %jit3A_149 : i32 to vector<16xi32>
        %select_n3A_151 = arith.select %and3A_148, %sub3A_141, %broadcast_in_dim3A_150 : vector<16xi1>, vector<16xi32>
        %swap3A_152 = arith.constant 48 : index
        %swap3A_153 = tpu.vector_load %arg11[%swap3A_152] {strides = array<i32>} : memref<80xi32, #tpu.memory_space<vmem>>, vector<16xi32>,
        tpu.vector_store %arg11[%swap3A_152], %select_n3A_151 {strides = array<i32>} : memref<80xi32, #tpu.memory_space<vmem>>, vector<16xi32>,
        %broadcast_in_dim3A_154 = arith.constant true
        %broadcast_in_dim3A_155 = vector.broadcast %broadcast_in_dim3A_154 : i1 to vector<16xi1>
        %unique3A_156, %unique3A_157 = tpu.scan_count mask(%broadcast_in_dim3A_155 : vector<16xi1>) value(%get3A_139 : vector<16xi32>) : vector<16xi1>, vector<16xi32>
        %shift_right_logical3A_158 = arith.constant 7 : i32
        %shift_right_logical3A_159 = vector.broadcast %shift_right_logical3A_158 : i32 to vector<16xi32>
        %shift_right_logical3A_160 = arith.shrui %get3A_139, %shift_right_logical3A_159 : vector<16xi32>
        %and3A_161 = arith.constant 127 : i32
        %and3A_162 = vector.broadcast %and3A_161 : i32 to vector<16xi32>
        %and3A_163 = arith.andi %get3A_139, %and3A_162 : vector<16xi32>
        %convert_element_type3A_164 = arith.sitofp %unique3A_157 : vector<16xi32> to vector<16xf32>
        tpu.vector_store_idx %arg14[%shift_right_logical3A_160, %and3A_163], %convert_element_type3A_164 masked %unique3A_156 {add = true} : memref<80x128xf32, #tpu.memory_space<vmem>>[vector<16xi32>, vector<16xi32>], vector<16xf32>, vector<16xi1>
        %mul3A_165 = arith.constant 80 : i32
        %mul3A_166 = arith.muli %scan3A_40, %mul3A_165 : i32
        %add3A_167 = arith.constant 64 : i32
        %add3A_168 = arith.addi %mul3A_166, %add3A_167 : i32
        %get3A_169 = arith.index_cast %add3A_168 : i32 to index
        %get3A_170 = tpu.vector_load %arg9[%get3A_169] {strides = array<i32>} : memref<20000xi32, #tpu.memory_space<vmem>>, vector<16xi32>,
        %sub3A_171 = vector.broadcast %mul3A_4 : i32 to vector<16xi32>
        %sub3A_172 = arith.subi %get3A_170, %sub3A_171 : vector<16xi32>
        %ge3A_173 = arith.constant 0 : i32
        %ge3A_174 = vector.broadcast %ge3A_173 : i32 to vector<16xi32>
        %ge3A_175 = arith.cmpi sge, %sub3A_172, %ge3A_174 : vector<16xi32>
        %lt3A_176 = arith.constant 5000 : i32
        %lt3A_177 = vector.broadcast %lt3A_176 : i32 to vector<16xi32>
        %lt3A_178 = arith.cmpi slt, %sub3A_172, %lt3A_177 : vector<16xi32>
        %and3A_179 = arith.andi %ge3A_175, %lt3A_178 : vector<16xi1>
        %jit3A_180 = arith.constant 5000 : i32
        %broadcast_in_dim3A_181 = vector.broadcast %jit3A_180 : i32 to vector<16xi32>
        %select_n3A_182 = arith.select %and3A_179, %sub3A_172, %broadcast_in_dim3A_181 : vector<16xi1>, vector<16xi32>
        %swap3A_183 = arith.constant 64 : index
        %swap3A_184 = tpu.vector_load %arg11[%swap3A_183] {strides = array<i32>} : memref<80xi32, #tpu.memory_space<vmem>>, vector<16xi32>,
        tpu.vector_store %arg11[%swap3A_183], %select_n3A_182 {strides = array<i32>} : memref<80xi32, #tpu.memory_space<vmem>>, vector<16xi32>,
        %broadcast_in_dim3A_185 = arith.constant true
        %broadcast_in_dim3A_186 = vector.broadcast %broadcast_in_dim3A_185 : i1 to vector<16xi1>
        %unique3A_187, %unique3A_188 = tpu.scan_count mask(%broadcast_in_dim3A_186 : vector<16xi1>) value(%get3A_170 : vector<16xi32>) : vector<16xi1>, vector<16xi32>
        %shift_right_logical3A_189 = arith.constant 7 : i32
        %shift_right_logical3A_190 = vector.broadcast %shift_right_logical3A_189 : i32 to vector<16xi32>
        %shift_right_logical3A_191 = arith.shrui %get3A_170, %shift_right_logical3A_190 : vector<16xi32>
        %and3A_192 = arith.constant 127 : i32
        %and3A_193 = vector.broadcast %and3A_192 : i32 to vector<16xi32>
        %and3A_194 = arith.andi %get3A_170, %and3A_193 : vector<16xi32>
        %convert_element_type3A_195 = arith.sitofp %unique3A_188 : vector<16xi32> to vector<16xf32>
        tpu.vector_store_idx %arg14[%shift_right_logical3A_191, %and3A_194], %convert_element_type3A_195 masked %unique3A_187 {add = true} : memref<80x128xf32, #tpu.memory_space<vmem>>[vector<16xi32>, vector<16xi32>], vector<16xf32>, vector<16xi1>
        %dma_wait3A_196 = arith.constant 0 : i32
        %dma_wait3A_197 = tpu.memref_slice %arg8[%dma_wait3A_196] : memref<20000xi32, #tpu.memory_space<vmem>> -> memref<80xi32, #tpu.memory_space<vmem>>
        %dma_wait3A_198 = arith.constant 0 : i32
        %dma_wait3A_199 = arith.constant 0 : i32
        %dma_wait3A_200 = tpu.memref_slice %arg2[%dma_wait3A_198, %dma_wait3A_199] : memref<10000x128xf32, #tpu.memory_space<hbm>> -> memref<10000x128xf32, #tpu.memory_space<hbm>>
        tpu.wait_indirect_dma semaphore(%arg17 : memref<!tpu.dma_semaphore, #tpu.memory_space<semaphore_mem>>) src(%dma_wait3A_200 : memref<10000x128xf32, #tpu.memory_space<hbm>>) dst(%arg13 : memref<80x128xf32, #tpu.memory_space<vmem>>)
        %dma_start3A_201 = arith.constant 0 : i32
        %dma_start3A_202 = arith.constant 0 : i32
        %dma_start3A_203 = tpu.memref_slice %arg15[%dma_start3A_201, %dma_start3A_202] : memref<5008x128xf32, #tpu.memory_space<vmem_shared>> -> memref<5008x128xf32, #tpu.memory_space<vmem_shared>>
        tpu.enqueue_indirect_dma source(%arg13 : memref<80x128xf32, #tpu.memory_space<vmem>>) target(%dma_start3A_203 : memref<5008x128xf32, #tpu.memory_space<vmem_shared>>) offsets(%arg11 : memref<80xi32, #tpu.memory_space<vmem>>) semaphore(%arg19 : memref<!tpu.dma_semaphore, #tpu.memory_space<semaphore_mem>>) {add = true}
        %ge3A_204 = arith.constant 1 : i32
        %ge3A_205 = arith.cmpi sge, %scan3A_40, %ge3A_204 : i32
        %convert_element_type3A_206 = arith.extui %ge3A_205 : i1 to i32
        %cond3A_207 = arith.constant 0 : i32
        %cond3A_208 = arith.cmpi ne, %convert_element_type3A_206, %cond3A_207 : i32
        scf.if %cond3A_208 {
          %dma_wait3A_216 = arith.constant 0 : i32
          %dma_wait3A_217 = arith.constant 0 : i32
          %dma_wait3A_218 = tpu.memref_slice %arg15[%dma_wait3A_216, %dma_wait3A_217] : memref<5008x128xf32, #tpu.memory_space<vmem_shared>> -> memref<5008x128xf32, #tpu.memory_space<vmem_shared>>
          tpu.wait_indirect_dma semaphore(%arg18 : memref<!tpu.dma_semaphore, #tpu.memory_space<semaphore_mem>>) src(%arg12 : memref<80x128xf32, #tpu.memory_space<vmem>>) dst(%dma_wait3A_218 : memref<5008x128xf32, #tpu.memory_space<vmem_shared>>)
        } else {
        }
        %add3A_209 = arith.constant 1 : i32
        %add3A_210 = arith.addi %scan3A_40, %add3A_209 : i32
        %lt3A_211 = arith.constant 250 : i32
        %lt3A_212 = arith.cmpi slt, %add3A_210, %lt3A_211 : i32
        %convert_element_type3A_213 = arith.extui %lt3A_212 : i1 to i32
        %cond3A_214 = arith.constant 0 : i32
        %cond3A_215 = arith.cmpi ne, %convert_element_type3A_213, %cond3A_214 : i32
        scf.if %cond3A_215 {
          %add3A_216 = arith.constant 1 : i32
          %add3A_217 = arith.addi %scan3A_40, %add3A_216 : i32
          %mul3A_218 = arith.constant 80 : i32
          %mul3A_219 = arith.muli %add3A_217, %mul3A_218 : i32
          %dma_start3A_220 = tpu.memref_slice %arg8[%mul3A_219] : memref<20000xi32, #tpu.memory_space<vmem>> -> memref<80xi32, #tpu.memory_space<vmem>>
          %dma_start3A_221 = arith.constant 0 : i32
          %dma_start3A_222 = arith.constant 0 : i32
          %dma_start3A_223 = tpu.memref_slice %arg2[%dma_start3A_221, %dma_start3A_222] : memref<10000x128xf32, #tpu.memory_space<hbm>> -> memref<10000x128xf32, #tpu.memory_space<hbm>>
          tpu.enqueue_indirect_dma source(%dma_start3A_223 : memref<10000x128xf32, #tpu.memory_space<hbm>>) target(%arg12 : memref<80x128xf32, #tpu.memory_space<vmem>>) offsets(%dma_start3A_220 : memref<80xi32, #tpu.memory_space<vmem>>) semaphore(%arg16 : memref<!tpu.dma_semaphore, #tpu.memory_space<semaphore_mem>>)
        } else {
        }
      } else {
      }
    }
    %scan3A_26 = arith.constant 250 : i32
    %dma_wait3A = arith.constant 0 : i32
    %dma_wait3A_27 = arith.constant 0 : i32
    %dma_wait3A_28 = tpu.memref_slice %arg15[%dma_wait3A, %dma_wait3A_27] : memref<5008x128xf32, #tpu.memory_space<vmem_shared>> -> memref<5008x128xf32, #tpu.memory_space<vmem_shared>>
    tpu.wait_indirect_dma semaphore(%arg19 : memref<!tpu.dma_semaphore, #tpu.memory_space<semaphore_mem>>) src(%arg13 : memref<80x128xf32, #tpu.memory_space<vmem>>) dst(%dma_wait3A_28 : memref<5008x128xf32, #tpu.memory_space<vmem_shared>>)
    "tpu.region"() ({
      %run_scoped3A = tpu.sem_alloc : memref<!tpu.dma_semaphore, #tpu.memory_space<semaphore_mem>>
      %dma_start3A_40 = arith.constant 0 : i32
      %dma_start3A_41 = arith.constant 0 : i32
      %dma_start3A_42 = tpu.memref_slice %arg7[%arg0, %arg1, %dma_start3A_40, %dma_start3A_41] : memref<2x16x80x128xf32, #tpu.memory_space<hbm>> -> memref<1x1x80x128xf32, #tpu.memory_space<hbm>>
      %dma_start3A_43 = tpu.memref_squeeze %dma_start3A_42 : memref<1x1x80x128xf32, #tpu.memory_space<hbm>> -> memref<80x128xf32, #tpu.memory_space<hbm>>
      %dma_start3A_44 = arith.constant 0 : i32
      %dma_start3A_45 = arith.constant 0 : i32
      %dma_start3A_46 = tpu.memref_slice %arg7[%arg0, %arg1, %dma_start3A_44, %dma_start3A_45] : memref<2x16x80x128xf32, #tpu.memory_space<hbm>> -> memref<1x1x80x128xf32, #tpu.memory_space<hbm>>
      %dma_start3A_47 = tpu.memref_squeeze %dma_start3A_46 : memref<1x1x80x128xf32, #tpu.memory_space<hbm>> -> memref<80x128xf32, #tpu.memory_space<hbm>>
      tpu.enqueue_dma source(%arg14 : memref<80x128xf32, #tpu.memory_space<vmem>>) target(%dma_start3A_47 : memref<80x128xf32, #tpu.memory_space<hbm>>) target_semaphore(%run_scoped3A : memref<!tpu.dma_semaphore, #tpu.memory_space<semaphore_mem>>)
      %dma_wait3A_48 = arith.constant 0 : i32
      %dma_wait3A_49 = arith.constant 0 : i32
      %dma_wait3A_50 = tpu.memref_slice %arg7[%arg0, %arg1, %dma_wait3A_48, %dma_wait3A_49] : memref<2x16x80x128xf32, #tpu.memory_space<hbm>> -> memref<1x1x80x128xf32, #tpu.memory_space<hbm>>
      %dma_wait3A_51 = tpu.memref_squeeze %dma_wait3A_50 : memref<1x1x80x128xf32, #tpu.memory_space<hbm>> -> memref<80x128xf32, #tpu.memory_space<hbm>>
      %dma_wait3A_52 = arith.constant 0 : i32
      %dma_wait3A_53 = arith.constant 0 : i32
      %dma_wait3A_54 = tpu.memref_slice %arg7[%arg0, %arg1, %dma_wait3A_52, %dma_wait3A_53] : memref<2x16x80x128xf32, #tpu.memory_space<hbm>> -> memref<1x1x80x128xf32, #tpu.memory_space<hbm>>
      %dma_wait3A_55 = tpu.memref_squeeze %dma_wait3A_54 : memref<1x1x80x128xf32, #tpu.memory_space<hbm>> -> memref<80x128xf32, #tpu.memory_space<hbm>>
      tpu.wait_dma2 semaphore(%run_scoped3A : memref<!tpu.dma_semaphore, #tpu.memory_space<semaphore_mem>>) src(%arg14 : memref<80x128xf32, #tpu.memory_space<vmem>>) dst(%dma_wait3A_55 : memref<80x128xf32, #tpu.memory_space<hbm>>)
      tpu.yield
    }) : () -> ()
    %barrier3A_29 = arith.constant 0 : index
    tpu.barrier barrier_id(%barrier3A_29)
    %lt3A_30 = arith.constant 15 : i32
    %lt3A_31 = arith.cmpi slt, %arg1, %lt3A_30 : i32
    %convert_element_type3A_32 = arith.extui %lt3A_31 : i1 to i32
    %cond3A_33 = arith.constant 0 : i32
    %cond3A_34 = arith.cmpi ne, %convert_element_type3A_32, %cond3A_33 : i32
    scf.if %cond3A_34 {
      "tpu.region"() ({
        %run_scoped3A = tpu.sem_alloc : memref<!tpu.dma_semaphore, #tpu.memory_space<semaphore_mem>>
        %dma_start3A_40 = arith.constant 0 : i32
        %dma_start3A_41 = tpu.memref_slice %arg6[%arg0, %mul3A_2, %dma_start3A_40] : memref<2x5000x128xf32, #tpu.memory_space<hbm>> -> memref<1x312x128xf32, #tpu.memory_space<hbm>>
        %dma_start3A_42 = tpu.memref_squeeze %dma_start3A_41 : memref<1x312x128xf32, #tpu.memory_space<hbm>> -> memref<312x128xf32, #tpu.memory_space<hbm>>
        %dma_start3A_43 = arith.constant 0 : i32
        %dma_start3A_44 = tpu.memref_slice %arg15[%mul3A_2, %dma_start3A_43] : memref<5008x128xf32, #tpu.memory_space<vmem_shared>> -> memref<312x128xf32, #tpu.memory_space<vmem_shared>>
        tpu.enqueue_dma source(%dma_start3A_44 : memref<312x128xf32, #tpu.memory_space<vmem_shared>>) target(%dma_start3A_42 : memref<312x128xf32, #tpu.memory_space<hbm>>) target_semaphore(%run_scoped3A : memref<!tpu.dma_semaphore, #tpu.memory_space<semaphore_mem>>)
        %dma_wait3A_45 = arith.constant 0 : i32
        %dma_wait3A_46 = tpu.memref_slice %arg6[%arg0, %mul3A_2, %dma_wait3A_45] : memref<2x5000x128xf32, #tpu.memory_space<hbm>> -> memref<1x312x128xf32, #tpu.memory_space<hbm>>
        %dma_wait3A_47 = tpu.memref_squeeze %dma_wait3A_46 : memref<1x312x128xf32, #tpu.memory_space<hbm>> -> memref<312x128xf32, #tpu.memory_space<hbm>>
        %dma_wait3A_48 = arith.constant 0 : i32
        %dma_wait3A_49 = tpu.memref_slice %arg15[%mul3A_2, %dma_wait3A_48] : memref<5008x128xf32, #tpu.memory_space<vmem_shared>> -> memref<312x128xf32, #tpu.memory_space<vmem_shared>>
        tpu.wait_dma2 semaphore(%run_scoped3A : memref<!tpu.dma_semaphore, #tpu.memory_space<semaphore_mem>>) src(%dma_wait3A_49 : memref<312x128xf32, #tpu.memory_space<vmem_shared>>) dst(%dma_wait3A_47 : memref<312x128xf32, #tpu.memory_space<hbm>>)
        tpu.yield
      }) : () -> ()
    } else {
    }
    %eq3A_35 = arith.constant 15 : i32
    %eq3A_36 = arith.cmpi eq, %arg1, %eq3A_35 : i32
    %convert_element_type3A_37 = arith.extui %eq3A_36 : i1 to i32
    %cond3A_38 = arith.constant 0 : i32
    %cond3A_39 = arith.cmpi ne, %convert_element_type3A_37, %cond3A_38 : i32
    scf.if %cond3A_39 {
      "tpu.region"() ({
        %run_scoped3A = tpu.sem_alloc : memref<!tpu.dma_semaphore, #tpu.memory_space<semaphore_mem>>
        %dma_start3A_40 = arith.constant 0 : i32
        %dma_start3A_41 = tpu.memref_slice %arg6[%arg0, %mul3A_2, %dma_start3A_40] : memref<2x5000x128xf32, #tpu.memory_space<hbm>> -> memref<1x320x128xf32, #tpu.memory_space<hbm>>
        %dma_start3A_42 = tpu.memref_squeeze %dma_start3A_41 : memref<1x320x128xf32, #tpu.memory_space<hbm>> -> memref<320x128xf32, #tpu.memory_space<hbm>>
        %dma_start3A_43 = arith.constant 0 : i32
        %dma_start3A_44 = tpu.memref_slice %arg15[%mul3A_2, %dma_start3A_43] : memref<5008x128xf32, #tpu.memory_space<vmem_shared>> -> memref<320x128xf32, #tpu.memory_space<vmem_shared>>
        tpu.enqueue_dma source(%dma_start3A_44 : memref<320x128xf32, #tpu.memory_space<vmem_shared>>) target(%dma_start3A_42 : memref<320x128xf32, #tpu.memory_space<hbm>>) target_semaphore(%run_scoped3A : memref<!tpu.dma_semaphore, #tpu.memory_space<semaphore_mem>>)
        %dma_wait3A_45 = arith.constant 0 : i32
        %dma_wait3A_46 = tpu.memref_slice %arg6[%arg0, %mul3A_2, %dma_wait3A_45] : memref<2x5000x128xf32, #tpu.memory_space<hbm>> -> memref<1x320x128xf32, #tpu.memory_space<hbm>>
        %dma_wait3A_47 = tpu.memref_squeeze %dma_wait3A_46 : memref<1x320x128xf32, #tpu.memory_space<hbm>> -> memref<320x128xf32, #tpu.memory_space<hbm>>
        %dma_wait3A_48 = arith.constant 0 : i32
        %dma_wait3A_49 = tpu.memref_slice %arg15[%mul3A_2, %dma_wait3A_48] : memref<5008x128xf32, #tpu.memory_space<vmem_shared>> -> memref<320x128xf32, #tpu.memory_space<vmem_shared>>
        tpu.wait_dma2 semaphore(%run_scoped3A : memref<!tpu.dma_semaphore, #tpu.memory_space<semaphore_mem>>) src(%dma_wait3A_49 : memref<320x128xf32, #tpu.memory_space<vmem_shared>>) dst(%dma_wait3A_47 : memref<320x128xf32, #tpu.memory_space<hbm>>)
        tpu.yield
      }) : () -> ()
    } else {
    }
    return
  }
}

#map = affine_map<(d0, d1) -> (0, 0)>
#map1 = affine_map<(d0, d1) -> (0)>
#map2 = affine_map<(d0, d1) -> (0, 0, 0)>
module attributes {stable_mosaic.version = 14 : i64} {
  func.func @_seg_sum_body(%arg0: i32, %arg1: i32, %arg2: memref<10000x128xf32, #tpu.memory_space<hbm>>, %arg3: memref<320000xi32, #tpu.memory_space<hbm>>, %arg4: memref<320000xi32, #tpu.memory_space<hbm>>, %arg5: memref<320x128xf32, #tpu.memory_space<hbm>>, %arg6: memref<2x5000x128xf32, #tpu.memory_space<hbm>>, %arg7: memref<20000xi32, #tpu.memory_space<vmem>>, %arg8: memref<20000xi32, #tpu.memory_space<vmem>>, %arg9: memref<80xi32, #tpu.memory_space<vmem>>, %arg10: memref<80xi32, #tpu.memory_space<vmem>>, %arg11: memref<80x128xf32, #tpu.memory_space<vmem>>, %arg12: memref<80x128xf32, #tpu.memory_space<vmem>>, %arg13: memref<5008x128xf32, #tpu.memory_space<vmem_shared>>, %arg14: memref<!tpu.dma_semaphore, #tpu.memory_space<semaphore_mem>>, %arg15: memref<!tpu.dma_semaphore, #tpu.memory_space<semaphore_mem>>, %arg16: memref<!tpu.dma_semaphore, #tpu.memory_space<semaphore_mem>>, %arg17: memref<!tpu.dma_semaphore, #tpu.memory_space<semaphore_mem>>) attributes {dimension_semantics = [#tpu.dimension_semantics<core_parallel>, #tpu.dimension_semantics<subcore_parallel>], iteration_bounds = array<i64: 2, 16>, scalar_prefetch = 0 : i64, scratch_operands = 11 : i64, tpu.core_type = #tpu.core_type<sc_vector_subcore>, window_params = [{transform_indices = #map}, {transform_indices = #map1}, {transform_indices = #map1}, {transform_indices = #map}, {transform_indices = #map2}]} {
    %mul3A = arith.constant 20000 : i32
    %mul3A_0 = arith.muli %arg1, %mul3A : i32
    %mul3A_1 = arith.constant 312 : i32
    %mul3A_2 = arith.muli %arg1, %mul3A_1 : i32
    %mul3A_3 = arith.constant 5000 : i32
    %mul3A_4 = arith.muli %arg0, %mul3A_3 : i32
    %lt3A = arith.constant 15 : i32
    %lt3A_5 = arith.cmpi slt, %arg1, %lt3A : i32
    %convert_element_type3A = arith.extui %lt3A_5 : i1 to i32
    %cond3A = arith.constant 0 : i32
    %cond3A_6 = arith.cmpi ne, %convert_element_type3A, %cond3A : i32
    scf.if %cond3A_6 {
      "tpu.region"() ({
        %run_scoped3A = tpu.sem_alloc : memref<!tpu.dma_semaphore, #tpu.memory_space<semaphore_mem>>
        %dma_start3A_33 = arith.constant 0 : i32
        %dma_start3A_34 = tpu.memref_slice %arg13[%mul3A_2, %dma_start3A_33] : memref<5008x128xf32, #tpu.memory_space<vmem_shared>> -> memref<312x128xf32, #tpu.memory_space<vmem_shared>>
        %dma_start3A_35 = arith.constant 0 : i32
        %dma_start3A_36 = arith.constant 0 : i32
        %dma_start3A_37 = tpu.memref_slice %arg5[%dma_start3A_35, %dma_start3A_36] : memref<320x128xf32, #tpu.memory_space<hbm>> -> memref<312x128xf32, #tpu.memory_space<hbm>>
        tpu.enqueue_dma source(%dma_start3A_37 : memref<312x128xf32, #tpu.memory_space<hbm>>) target(%dma_start3A_34 : memref<312x128xf32, #tpu.memory_space<vmem_shared>>) target_semaphore(%run_scoped3A : memref<!tpu.dma_semaphore, #tpu.memory_space<semaphore_mem>>)
        %dma_wait3A_38 = arith.constant 0 : i32
        %dma_wait3A_39 = tpu.memref_slice %arg13[%mul3A_2, %dma_wait3A_38] : memref<5008x128xf32, #tpu.memory_space<vmem_shared>> -> memref<312x128xf32, #tpu.memory_space<vmem_shared>>
        %dma_wait3A_40 = arith.constant 0 : i32
        %dma_wait3A_41 = arith.constant 0 : i32
        %dma_wait3A_42 = tpu.memref_slice %arg5[%dma_wait3A_40, %dma_wait3A_41] : memref<320x128xf32, #tpu.memory_space<hbm>> -> memref<312x128xf32, #tpu.memory_space<hbm>>
        tpu.wait_dma2 semaphore(%run_scoped3A : memref<!tpu.dma_semaphore, #tpu.memory_space<semaphore_mem>>) src(%dma_wait3A_42 : memref<312x128xf32, #tpu.memory_space<hbm>>) dst(%dma_wait3A_39 : memref<312x128xf32, #tpu.memory_space<vmem_shared>>)
        tpu.yield
      }) : () -> ()
    } else {
    }
    %eq3A = arith.constant 15 : i32
    %eq3A_7 = arith.cmpi eq, %arg1, %eq3A : i32
    %convert_element_type3A_8 = arith.extui %eq3A_7 : i1 to i32
    %cond3A_9 = arith.constant 0 : i32
    %cond3A_10 = arith.cmpi ne, %convert_element_type3A_8, %cond3A_9 : i32
    scf.if %cond3A_10 {
      "tpu.region"() ({
        %run_scoped3A = tpu.sem_alloc : memref<!tpu.dma_semaphore, #tpu.memory_space<semaphore_mem>>
        %dma_start3A_33 = arith.constant 0 : i32
        %dma_start3A_34 = tpu.memref_slice %arg13[%mul3A_2, %dma_start3A_33] : memref<5008x128xf32, #tpu.memory_space<vmem_shared>> -> memref<320x128xf32, #tpu.memory_space<vmem_shared>>
        tpu.enqueue_dma source(%arg5 : memref<320x128xf32, #tpu.memory_space<hbm>>) target(%dma_start3A_34 : memref<320x128xf32, #tpu.memory_space<vmem_shared>>) target_semaphore(%run_scoped3A : memref<!tpu.dma_semaphore, #tpu.memory_space<semaphore_mem>>)
        %dma_wait3A_35 = arith.constant 0 : i32
        %dma_wait3A_36 = tpu.memref_slice %arg13[%mul3A_2, %dma_wait3A_35] : memref<5008x128xf32, #tpu.memory_space<vmem_shared>> -> memref<320x128xf32, #tpu.memory_space<vmem_shared>>
        tpu.wait_dma2 semaphore(%run_scoped3A : memref<!tpu.dma_semaphore, #tpu.memory_space<semaphore_mem>>) src(%arg5 : memref<320x128xf32, #tpu.memory_space<hbm>>) dst(%dma_wait3A_36 : memref<320x128xf32, #tpu.memory_space<vmem_shared>>)
        tpu.yield
      }) : () -> ()
    } else {
    }
    %barrier3A = arith.constant 0 : index
    tpu.barrier barrier_id(%barrier3A)
    "tpu.region"() ({
      %run_scoped3A = tpu.sem_alloc : memref<!tpu.dma_semaphore, #tpu.memory_space<semaphore_mem>>
      %dma_start3A_33 = tpu.memref_slice %arg3[%mul3A_0] : memref<320000xi32, #tpu.memory_space<hbm>> -> memref<20000xi32, #tpu.memory_space<hbm>>
      %dma_start3A_34 = tpu.memref_slice %arg3[%mul3A_0] : memref<320000xi32, #tpu.memory_space<hbm>> -> memref<20000xi32, #tpu.memory_space<hbm>>
      tpu.enqueue_dma source(%dma_start3A_34 : memref<20000xi32, #tpu.memory_space<hbm>>) target(%arg7 : memref<20000xi32, #tpu.memory_space<vmem>>) target_semaphore(%run_scoped3A : memref<!tpu.dma_semaphore, #tpu.memory_space<semaphore_mem>>)
      %dma_wait3A_35 = tpu.memref_slice %arg3[%mul3A_0] : memref<320000xi32, #tpu.memory_space<hbm>> -> memref<20000xi32, #tpu.memory_space<hbm>>
      %dma_wait3A_36 = tpu.memref_slice %arg3[%mul3A_0] : memref<320000xi32, #tpu.memory_space<hbm>> -> memref<20000xi32, #tpu.memory_space<hbm>>
      tpu.wait_dma2 semaphore(%run_scoped3A : memref<!tpu.dma_semaphore, #tpu.memory_space<semaphore_mem>>) src(%dma_wait3A_36 : memref<20000xi32, #tpu.memory_space<hbm>>) dst(%arg7 : memref<20000xi32, #tpu.memory_space<vmem>>)
      tpu.yield
    }) : () -> ()
    "tpu.region"() ({
      %run_scoped3A = tpu.sem_alloc : memref<!tpu.dma_semaphore, #tpu.memory_space<semaphore_mem>>
      %dma_start3A_33 = tpu.memref_slice %arg4[%mul3A_0] : memref<320000xi32, #tpu.memory_space<hbm>> -> memref<20000xi32, #tpu.memory_space<hbm>>
      %dma_start3A_34 = tpu.memref_slice %arg4[%mul3A_0] : memref<320000xi32, #tpu.memory_space<hbm>> -> memref<20000xi32, #tpu.memory_space<hbm>>
      tpu.enqueue_dma source(%dma_start3A_34 : memref<20000xi32, #tpu.memory_space<hbm>>) target(%arg8 : memref<20000xi32, #tpu.memory_space<vmem>>) target_semaphore(%run_scoped3A : memref<!tpu.dma_semaphore, #tpu.memory_space<semaphore_mem>>)
      %dma_wait3A_35 = tpu.memref_slice %arg4[%mul3A_0] : memref<320000xi32, #tpu.memory_space<hbm>> -> memref<20000xi32, #tpu.memory_space<hbm>>
      %dma_wait3A_36 = tpu.memref_slice %arg4[%mul3A_0] : memref<320000xi32, #tpu.memory_space<hbm>> -> memref<20000xi32, #tpu.memory_space<hbm>>
      tpu.wait_dma2 semaphore(%run_scoped3A : memref<!tpu.dma_semaphore, #tpu.memory_space<semaphore_mem>>) src(%dma_wait3A_36 : memref<20000xi32, #tpu.memory_space<hbm>>) dst(%arg8 : memref<20000xi32, #tpu.memory_space<vmem>>)
      tpu.yield
    }) : () -> ()
    %dma_start3A = arith.constant 0 : i32
    %dma_start3A_11 = tpu.memref_slice %arg7[%dma_start3A] : memref<20000xi32, #tpu.memory_space<vmem>> -> memref<80xi32, #tpu.memory_space<vmem>>
    %dma_start3A_12 = arith.constant 0 : i32
    %dma_start3A_13 = arith.constant 0 : i32
    %dma_start3A_14 = tpu.memref_slice %arg2[%dma_start3A_12, %dma_start3A_13] : memref<10000x128xf32, #tpu.memory_space<hbm>> -> memref<10000x128xf32, #tpu.memory_space<hbm>>
    tpu.enqueue_indirect_dma source(%dma_start3A_14 : memref<10000x128xf32, #tpu.memory_space<hbm>>) target(%arg11 : memref<80x128xf32, #tpu.memory_space<vmem>>) offsets(%dma_start3A_11 : memref<80xi32, #tpu.memory_space<vmem>>) semaphore(%arg14 : memref<!tpu.dma_semaphore, #tpu.memory_space<semaphore_mem>>)
    %scan3A = arith.constant 0 : i32
    %scan3A_15 = arith.constant 0 : i32
    %scan3A_16 = arith.constant 250 : i32
    %scan3A_17 = arith.addi %scan3A_15, %scan3A_16 : i32
    %scan3A_18 = arith.constant 1 : i32
    scf.for %scan3A_33 = %scan3A_15 to %scan3A_17 step %scan3A_18  : i32 {
      %rem3A = arith.constant 2 : i32
      %rem3A_34 = arith.remsi %scan3A_33, %rem3A : i32
      %eq3A_35 = arith.constant 0 : i32
      %eq3A_36 = arith.cmpi eq, %rem3A_34, %eq3A_35 : i32
      %convert_element_type3A_37 = arith.extui %eq3A_36 : i1 to i32
      %cond3A_38 = arith.constant 0 : i32
      %cond3A_39 = arith.cmpi ne, %convert_element_type3A_37, %cond3A_38 : i32
      scf.if %cond3A_39 {
        %mul3A_44 = arith.constant 80 : i32
        %mul3A_45 = arith.muli %scan3A_33, %mul3A_44 : i32
        %add3A = arith.constant 0 : i32
        %add3A_46 = arith.addi %mul3A_45, %add3A : i32
        %get3A = arith.index_cast %add3A_46 : i32 to index
        %get3A_47 = tpu.vector_load %arg8[%get3A] {strides = array<i32>} : memref<20000xi32, #tpu.memory_space<vmem>>, vector<16xi32>,
        %sub3A = vector.broadcast %mul3A_4 : i32 to vector<16xi32>
        %sub3A_48 = arith.subi %get3A_47, %sub3A : vector<16xi32>
        %ge3A = arith.constant 0 : i32
        %ge3A_49 = vector.broadcast %ge3A : i32 to vector<16xi32>
        %ge3A_50 = arith.cmpi sge, %sub3A_48, %ge3A_49 : vector<16xi32>
        %lt3A_51 = arith.constant 5000 : i32
        %lt3A_52 = vector.broadcast %lt3A_51 : i32 to vector<16xi32>
        %lt3A_53 = arith.cmpi slt, %sub3A_48, %lt3A_52 : vector<16xi32>
        %and3A = arith.andi %ge3A_50, %lt3A_53 : vector<16xi1>
        %jit3A = arith.constant 5000 : i32
        %broadcast_in_dim3A = vector.broadcast %jit3A : i32 to vector<16xi32>
        %select_n3A = arith.select %and3A, %sub3A_48, %broadcast_in_dim3A : vector<16xi1>, vector<16xi32>
        %swap3A = arith.constant 0 : index
        %swap3A_54 = tpu.vector_load %arg9[%swap3A] {strides = array<i32>} : memref<80xi32, #tpu.memory_space<vmem>>, vector<16xi32>,
        tpu.vector_store %arg9[%swap3A], %select_n3A {strides = array<i32>} : memref<80xi32, #tpu.memory_space<vmem>>, vector<16xi32>,
        %mul3A_55 = arith.constant 80 : i32
        %mul3A_56 = arith.muli %scan3A_33, %mul3A_55 : i32
        %add3A_57 = arith.constant 16 : i32
        %add3A_58 = arith.addi %mul3A_56, %add3A_57 : i32
        %get3A_59 = arith.index_cast %add3A_58 : i32 to index
        %get3A_60 = tpu.vector_load %arg8[%get3A_59] {strides = array<i32>} : memref<20000xi32, #tpu.memory_space<vmem>>, vector<16xi32>,
        %sub3A_61 = vector.broadcast %mul3A_4 : i32 to vector<16xi32>
        %sub3A_62 = arith.subi %get3A_60, %sub3A_61 : vector<16xi32>
        %ge3A_63 = arith.constant 0 : i32
        %ge3A_64 = vector.broadcast %ge3A_63 : i32 to vector<16xi32>
        %ge3A_65 = arith.cmpi sge, %sub3A_62, %ge3A_64 : vector<16xi32>
        %lt3A_66 = arith.constant 5000 : i32
        %lt3A_67 = vector.broadcast %lt3A_66 : i32 to vector<16xi32>
        %lt3A_68 = arith.cmpi slt, %sub3A_62, %lt3A_67 : vector<16xi32>
        %and3A_69 = arith.andi %ge3A_65, %lt3A_68 : vector<16xi1>
        %jit3A_70 = arith.constant 5000 : i32
        %broadcast_in_dim3A_71 = vector.broadcast %jit3A_70 : i32 to vector<16xi32>
        %select_n3A_72 = arith.select %and3A_69, %sub3A_62, %broadcast_in_dim3A_71 : vector<16xi1>, vector<16xi32>
        %swap3A_73 = arith.constant 16 : index
        %swap3A_74 = tpu.vector_load %arg9[%swap3A_73] {strides = array<i32>} : memref<80xi32, #tpu.memory_space<vmem>>, vector<16xi32>,
        tpu.vector_store %arg9[%swap3A_73], %select_n3A_72 {strides = array<i32>} : memref<80xi32, #tpu.memory_space<vmem>>, vector<16xi32>,
        %mul3A_75 = arith.constant 80 : i32
        %mul3A_76 = arith.muli %scan3A_33, %mul3A_75 : i32
        %add3A_77 = arith.constant 32 : i32
        %add3A_78 = arith.addi %mul3A_76, %add3A_77 : i32
        %get3A_79 = arith.index_cast %add3A_78 : i32 to index
        %get3A_80 = tpu.vector_load %arg8[%get3A_79] {strides = array<i32>} : memref<20000xi32, #tpu.memory_space<vmem>>, vector<16xi32>,
        %sub3A_81 = vector.broadcast %mul3A_4 : i32 to vector<16xi32>
        %sub3A_82 = arith.subi %get3A_80, %sub3A_81 : vector<16xi32>
        %ge3A_83 = arith.constant 0 : i32
        %ge3A_84 = vector.broadcast %ge3A_83 : i32 to vector<16xi32>
        %ge3A_85 = arith.cmpi sge, %sub3A_82, %ge3A_84 : vector<16xi32>
        %lt3A_86 = arith.constant 5000 : i32
        %lt3A_87 = vector.broadcast %lt3A_86 : i32 to vector<16xi32>
        %lt3A_88 = arith.cmpi slt, %sub3A_82, %lt3A_87 : vector<16xi32>
        %and3A_89 = arith.andi %ge3A_85, %lt3A_88 : vector<16xi1>
        %jit3A_90 = arith.constant 5000 : i32
        %broadcast_in_dim3A_91 = vector.broadcast %jit3A_90 : i32 to vector<16xi32>
        %select_n3A_92 = arith.select %and3A_89, %sub3A_82, %broadcast_in_dim3A_91 : vector<16xi1>, vector<16xi32>
        %swap3A_93 = arith.constant 32 : index
        %swap3A_94 = tpu.vector_load %arg9[%swap3A_93] {strides = array<i32>} : memref<80xi32, #tpu.memory_space<vmem>>, vector<16xi32>,
        tpu.vector_store %arg9[%swap3A_93], %select_n3A_92 {strides = array<i32>} : memref<80xi32, #tpu.memory_space<vmem>>, vector<16xi32>,
        %mul3A_95 = arith.constant 80 : i32
        %mul3A_96 = arith.muli %scan3A_33, %mul3A_95 : i32
        %add3A_97 = arith.constant 48 : i32
        %add3A_98 = arith.addi %mul3A_96, %add3A_97 : i32
        %get3A_99 = arith.index_cast %add3A_98 : i32 to index
        %get3A_100 = tpu.vector_load %arg8[%get3A_99] {strides = array<i32>} : memref<20000xi32, #tpu.memory_space<vmem>>, vector<16xi32>,
        %sub3A_101 = vector.broadcast %mul3A_4 : i32 to vector<16xi32>
        %sub3A_102 = arith.subi %get3A_100, %sub3A_101 : vector<16xi32>
        %ge3A_103 = arith.constant 0 : i32
        %ge3A_104 = vector.broadcast %ge3A_103 : i32 to vector<16xi32>
        %ge3A_105 = arith.cmpi sge, %sub3A_102, %ge3A_104 : vector<16xi32>
        %lt3A_106 = arith.constant 5000 : i32
        %lt3A_107 = vector.broadcast %lt3A_106 : i32 to vector<16xi32>
        %lt3A_108 = arith.cmpi slt, %sub3A_102, %lt3A_107 : vector<16xi32>
        %and3A_109 = arith.andi %ge3A_105, %lt3A_108 : vector<16xi1>
        %jit3A_110 = arith.constant 5000 : i32
        %broadcast_in_dim3A_111 = vector.broadcast %jit3A_110 : i32 to vector<16xi32>
        %select_n3A_112 = arith.select %and3A_109, %sub3A_102, %broadcast_in_dim3A_111 : vector<16xi1>, vector<16xi32>
        %swap3A_113 = arith.constant 48 : index
        %swap3A_114 = tpu.vector_load %arg9[%swap3A_113] {strides = array<i32>} : memref<80xi32, #tpu.memory_space<vmem>>, vector<16xi32>,
        tpu.vector_store %arg9[%swap3A_113], %select_n3A_112 {strides = array<i32>} : memref<80xi32, #tpu.memory_space<vmem>>, vector<16xi32>,
        %mul3A_115 = arith.constant 80 : i32
        %mul3A_116 = arith.muli %scan3A_33, %mul3A_115 : i32
        %add3A_117 = arith.constant 64 : i32
        %add3A_118 = arith.addi %mul3A_116, %add3A_117 : i32
        %get3A_119 = arith.index_cast %add3A_118 : i32 to index
        %get3A_120 = tpu.vector_load %arg8[%get3A_119] {strides = array<i32>} : memref<20000xi32, #tpu.memory_space<vmem>>, vector<16xi32>,
        %sub3A_121 = vector.broadcast %mul3A_4 : i32 to vector<16xi32>
        %sub3A_122 = arith.subi %get3A_120, %sub3A_121 : vector<16xi32>
        %ge3A_123 = arith.constant 0 : i32
        %ge3A_124 = vector.broadcast %ge3A_123 : i32 to vector<16xi32>
        %ge3A_125 = arith.cmpi sge, %sub3A_122, %ge3A_124 : vector<16xi32>
        %lt3A_126 = arith.constant 5000 : i32
        %lt3A_127 = vector.broadcast %lt3A_126 : i32 to vector<16xi32>
        %lt3A_128 = arith.cmpi slt, %sub3A_122, %lt3A_127 : vector<16xi32>
        %and3A_129 = arith.andi %ge3A_125, %lt3A_128 : vector<16xi1>
        %jit3A_130 = arith.constant 5000 : i32
        %broadcast_in_dim3A_131 = vector.broadcast %jit3A_130 : i32 to vector<16xi32>
        %select_n3A_132 = arith.select %and3A_129, %sub3A_122, %broadcast_in_dim3A_131 : vector<16xi1>, vector<16xi32>
        %swap3A_133 = arith.constant 64 : index
        %swap3A_134 = tpu.vector_load %arg9[%swap3A_133] {strides = array<i32>} : memref<80xi32, #tpu.memory_space<vmem>>, vector<16xi32>,
        tpu.vector_store %arg9[%swap3A_133], %select_n3A_132 {strides = array<i32>} : memref<80xi32, #tpu.memory_space<vmem>>, vector<16xi32>,
        %dma_wait3A_135 = arith.constant 0 : i32
        %dma_wait3A_136 = tpu.memref_slice %arg7[%dma_wait3A_135] : memref<20000xi32, #tpu.memory_space<vmem>> -> memref<80xi32, #tpu.memory_space<vmem>>
        %dma_wait3A_137 = arith.constant 0 : i32
        %dma_wait3A_138 = arith.constant 0 : i32
        %dma_wait3A_139 = tpu.memref_slice %arg2[%dma_wait3A_137, %dma_wait3A_138] : memref<10000x128xf32, #tpu.memory_space<hbm>> -> memref<10000x128xf32, #tpu.memory_space<hbm>>
        tpu.wait_indirect_dma semaphore(%arg14 : memref<!tpu.dma_semaphore, #tpu.memory_space<semaphore_mem>>) src(%dma_wait3A_139 : memref<10000x128xf32, #tpu.memory_space<hbm>>) dst(%arg11 : memref<80x128xf32, #tpu.memory_space<vmem>>)
        %dma_start3A_140 = arith.constant 0 : i32
        %dma_start3A_141 = arith.constant 0 : i32
        %dma_start3A_142 = tpu.memref_slice %arg13[%dma_start3A_140, %dma_start3A_141] : memref<5008x128xf32, #tpu.memory_space<vmem_shared>> -> memref<5008x128xf32, #tpu.memory_space<vmem_shared>>
        tpu.enqueue_indirect_dma source(%arg11 : memref<80x128xf32, #tpu.memory_space<vmem>>) target(%dma_start3A_142 : memref<5008x128xf32, #tpu.memory_space<vmem_shared>>) offsets(%arg9 : memref<80xi32, #tpu.memory_space<vmem>>) semaphore(%arg16 : memref<!tpu.dma_semaphore, #tpu.memory_space<semaphore_mem>>) {add = true}
        %ge3A_143 = arith.constant 1 : i32
        %ge3A_144 = arith.cmpi sge, %scan3A_33, %ge3A_143 : i32
        %convert_element_type3A_145 = arith.extui %ge3A_144 : i1 to i32
        %cond3A_146 = arith.constant 0 : i32
        %cond3A_147 = arith.cmpi ne, %convert_element_type3A_145, %cond3A_146 : i32
        scf.if %cond3A_147 {
          %dma_wait3A_155 = arith.constant 0 : i32
          %dma_wait3A_156 = arith.constant 0 : i32
          %dma_wait3A_157 = tpu.memref_slice %arg13[%dma_wait3A_155, %dma_wait3A_156] : memref<5008x128xf32, #tpu.memory_space<vmem_shared>> -> memref<5008x128xf32, #tpu.memory_space<vmem_shared>>
          tpu.wait_indirect_dma semaphore(%arg17 : memref<!tpu.dma_semaphore, #tpu.memory_space<semaphore_mem>>) src(%arg12 : memref<80x128xf32, #tpu.memory_space<vmem>>) dst(%dma_wait3A_157 : memref<5008x128xf32, #tpu.memory_space<vmem_shared>>)
        } else {
        }
        %add3A_148 = arith.constant 1 : i32
        %add3A_149 = arith.addi %scan3A_33, %add3A_148 : i32
        %lt3A_150 = arith.constant 250 : i32
        %lt3A_151 = arith.cmpi slt, %add3A_149, %lt3A_150 : i32
        %convert_element_type3A_152 = arith.extui %lt3A_151 : i1 to i32
        %cond3A_153 = arith.constant 0 : i32
        %cond3A_154 = arith.cmpi ne, %convert_element_type3A_152, %cond3A_153 : i32
        scf.if %cond3A_154 {
          %add3A_155 = arith.constant 1 : i32
          %add3A_156 = arith.addi %scan3A_33, %add3A_155 : i32
          %mul3A_157 = arith.constant 80 : i32
          %mul3A_158 = arith.muli %add3A_156, %mul3A_157 : i32
          %dma_start3A_159 = tpu.memref_slice %arg7[%mul3A_158] : memref<20000xi32, #tpu.memory_space<vmem>> -> memref<80xi32, #tpu.memory_space<vmem>>
          %dma_start3A_160 = arith.constant 0 : i32
          %dma_start3A_161 = arith.constant 0 : i32
          %dma_start3A_162 = tpu.memref_slice %arg2[%dma_start3A_160, %dma_start3A_161] : memref<10000x128xf32, #tpu.memory_space<hbm>> -> memref<10000x128xf32, #tpu.memory_space<hbm>>
          tpu.enqueue_indirect_dma source(%dma_start3A_162 : memref<10000x128xf32, #tpu.memory_space<hbm>>) target(%arg12 : memref<80x128xf32, #tpu.memory_space<vmem>>) offsets(%dma_start3A_159 : memref<80xi32, #tpu.memory_space<vmem>>) semaphore(%arg15 : memref<!tpu.dma_semaphore, #tpu.memory_space<semaphore_mem>>)
        } else {
        }
      } else {
      }
      %not3A = arith.constant true
      %not3A_40 = arith.xori %eq3A_36, %not3A : i1
      %convert_element_type3A_41 = arith.extui %not3A_40 : i1 to i32
      %cond3A_42 = arith.constant 0 : i32
      %cond3A_43 = arith.cmpi ne, %convert_element_type3A_41, %cond3A_42 : i32
      scf.if %cond3A_43 {
        %mul3A_44 = arith.constant 80 : i32
        %mul3A_45 = arith.muli %scan3A_33, %mul3A_44 : i32
        %add3A = arith.constant 0 : i32
        %add3A_46 = arith.addi %mul3A_45, %add3A : i32
        %get3A = arith.index_cast %add3A_46 : i32 to index
        %get3A_47 = tpu.vector_load %arg8[%get3A] {strides = array<i32>} : memref<20000xi32, #tpu.memory_space<vmem>>, vector<16xi32>,
        %sub3A = vector.broadcast %mul3A_4 : i32 to vector<16xi32>
        %sub3A_48 = arith.subi %get3A_47, %sub3A : vector<16xi32>
        %ge3A = arith.constant 0 : i32
        %ge3A_49 = vector.broadcast %ge3A : i32 to vector<16xi32>
        %ge3A_50 = arith.cmpi sge, %sub3A_48, %ge3A_49 : vector<16xi32>
        %lt3A_51 = arith.constant 5000 : i32
        %lt3A_52 = vector.broadcast %lt3A_51 : i32 to vector<16xi32>
        %lt3A_53 = arith.cmpi slt, %sub3A_48, %lt3A_52 : vector<16xi32>
        %and3A = arith.andi %ge3A_50, %lt3A_53 : vector<16xi1>
        %jit3A = arith.constant 5000 : i32
        %broadcast_in_dim3A = vector.broadcast %jit3A : i32 to vector<16xi32>
        %select_n3A = arith.select %and3A, %sub3A_48, %broadcast_in_dim3A : vector<16xi1>, vector<16xi32>
        %swap3A = arith.constant 0 : index
        %swap3A_54 = tpu.vector_load %arg10[%swap3A] {strides = array<i32>} : memref<80xi32, #tpu.memory_space<vmem>>, vector<16xi32>,
        tpu.vector_store %arg10[%swap3A], %select_n3A {strides = array<i32>} : memref<80xi32, #tpu.memory_space<vmem>>, vector<16xi32>,
        %mul3A_55 = arith.constant 80 : i32
        %mul3A_56 = arith.muli %scan3A_33, %mul3A_55 : i32
        %add3A_57 = arith.constant 16 : i32
        %add3A_58 = arith.addi %mul3A_56, %add3A_57 : i32
        %get3A_59 = arith.index_cast %add3A_58 : i32 to index
        %get3A_60 = tpu.vector_load %arg8[%get3A_59] {strides = array<i32>} : memref<20000xi32, #tpu.memory_space<vmem>>, vector<16xi32>,
        %sub3A_61 = vector.broadcast %mul3A_4 : i32 to vector<16xi32>
        %sub3A_62 = arith.subi %get3A_60, %sub3A_61 : vector<16xi32>
        %ge3A_63 = arith.constant 0 : i32
        %ge3A_64 = vector.broadcast %ge3A_63 : i32 to vector<16xi32>
        %ge3A_65 = arith.cmpi sge, %sub3A_62, %ge3A_64 : vector<16xi32>
        %lt3A_66 = arith.constant 5000 : i32
        %lt3A_67 = vector.broadcast %lt3A_66 : i32 to vector<16xi32>
        %lt3A_68 = arith.cmpi slt, %sub3A_62, %lt3A_67 : vector<16xi32>
        %and3A_69 = arith.andi %ge3A_65, %lt3A_68 : vector<16xi1>
        %jit3A_70 = arith.constant 5000 : i32
        %broadcast_in_dim3A_71 = vector.broadcast %jit3A_70 : i32 to vector<16xi32>
        %select_n3A_72 = arith.select %and3A_69, %sub3A_62, %broadcast_in_dim3A_71 : vector<16xi1>, vector<16xi32>
        %swap3A_73 = arith.constant 16 : index
        %swap3A_74 = tpu.vector_load %arg10[%swap3A_73] {strides = array<i32>} : memref<80xi32, #tpu.memory_space<vmem>>, vector<16xi32>,
        tpu.vector_store %arg10[%swap3A_73], %select_n3A_72 {strides = array<i32>} : memref<80xi32, #tpu.memory_space<vmem>>, vector<16xi32>,
        %mul3A_75 = arith.constant 80 : i32
        %mul3A_76 = arith.muli %scan3A_33, %mul3A_75 : i32
        %add3A_77 = arith.constant 32 : i32
        %add3A_78 = arith.addi %mul3A_76, %add3A_77 : i32
        %get3A_79 = arith.index_cast %add3A_78 : i32 to index
        %get3A_80 = tpu.vector_load %arg8[%get3A_79] {strides = array<i32>} : memref<20000xi32, #tpu.memory_space<vmem>>, vector<16xi32>,
        %sub3A_81 = vector.broadcast %mul3A_4 : i32 to vector<16xi32>
        %sub3A_82 = arith.subi %get3A_80, %sub3A_81 : vector<16xi32>
        %ge3A_83 = arith.constant 0 : i32
        %ge3A_84 = vector.broadcast %ge3A_83 : i32 to vector<16xi32>
        %ge3A_85 = arith.cmpi sge, %sub3A_82, %ge3A_84 : vector<16xi32>
        %lt3A_86 = arith.constant 5000 : i32
        %lt3A_87 = vector.broadcast %lt3A_86 : i32 to vector<16xi32>
        %lt3A_88 = arith.cmpi slt, %sub3A_82, %lt3A_87 : vector<16xi32>
        %and3A_89 = arith.andi %ge3A_85, %lt3A_88 : vector<16xi1>
        %jit3A_90 = arith.constant 5000 : i32
        %broadcast_in_dim3A_91 = vector.broadcast %jit3A_90 : i32 to vector<16xi32>
        %select_n3A_92 = arith.select %and3A_89, %sub3A_82, %broadcast_in_dim3A_91 : vector<16xi1>, vector<16xi32>
        %swap3A_93 = arith.constant 32 : index
        %swap3A_94 = tpu.vector_load %arg10[%swap3A_93] {strides = array<i32>} : memref<80xi32, #tpu.memory_space<vmem>>, vector<16xi32>,
        tpu.vector_store %arg10[%swap3A_93], %select_n3A_92 {strides = array<i32>} : memref<80xi32, #tpu.memory_space<vmem>>, vector<16xi32>,
        %mul3A_95 = arith.constant 80 : i32
        %mul3A_96 = arith.muli %scan3A_33, %mul3A_95 : i32
        %add3A_97 = arith.constant 48 : i32
        %add3A_98 = arith.addi %mul3A_96, %add3A_97 : i32
        %get3A_99 = arith.index_cast %add3A_98 : i32 to index
        %get3A_100 = tpu.vector_load %arg8[%get3A_99] {strides = array<i32>} : memref<20000xi32, #tpu.memory_space<vmem>>, vector<16xi32>,
        %sub3A_101 = vector.broadcast %mul3A_4 : i32 to vector<16xi32>
        %sub3A_102 = arith.subi %get3A_100, %sub3A_101 : vector<16xi32>
        %ge3A_103 = arith.constant 0 : i32
        %ge3A_104 = vector.broadcast %ge3A_103 : i32 to vector<16xi32>
        %ge3A_105 = arith.cmpi sge, %sub3A_102, %ge3A_104 : vector<16xi32>
        %lt3A_106 = arith.constant 5000 : i32
        %lt3A_107 = vector.broadcast %lt3A_106 : i32 to vector<16xi32>
        %lt3A_108 = arith.cmpi slt, %sub3A_102, %lt3A_107 : vector<16xi32>
        %and3A_109 = arith.andi %ge3A_105, %lt3A_108 : vector<16xi1>
        %jit3A_110 = arith.constant 5000 : i32
        %broadcast_in_dim3A_111 = vector.broadcast %jit3A_110 : i32 to vector<16xi32>
        %select_n3A_112 = arith.select %and3A_109, %sub3A_102, %broadcast_in_dim3A_111 : vector<16xi1>, vector<16xi32>
        %swap3A_113 = arith.constant 48 : index
        %swap3A_114 = tpu.vector_load %arg10[%swap3A_113] {strides = array<i32>} : memref<80xi32, #tpu.memory_space<vmem>>, vector<16xi32>,
        tpu.vector_store %arg10[%swap3A_113], %select_n3A_112 {strides = array<i32>} : memref<80xi32, #tpu.memory_space<vmem>>, vector<16xi32>,
        %mul3A_115 = arith.constant 80 : i32
        %mul3A_116 = arith.muli %scan3A_33, %mul3A_115 : i32
        %add3A_117 = arith.constant 64 : i32
        %add3A_118 = arith.addi %mul3A_116, %add3A_117 : i32
        %get3A_119 = arith.index_cast %add3A_118 : i32 to index
        %get3A_120 = tpu.vector_load %arg8[%get3A_119] {strides = array<i32>} : memref<20000xi32, #tpu.memory_space<vmem>>, vector<16xi32>,
        %sub3A_121 = vector.broadcast %mul3A_4 : i32 to vector<16xi32>
        %sub3A_122 = arith.subi %get3A_120, %sub3A_121 : vector<16xi32>
        %ge3A_123 = arith.constant 0 : i32
        %ge3A_124 = vector.broadcast %ge3A_123 : i32 to vector<16xi32>
        %ge3A_125 = arith.cmpi sge, %sub3A_122, %ge3A_124 : vector<16xi32>
        %lt3A_126 = arith.constant 5000 : i32
        %lt3A_127 = vector.broadcast %lt3A_126 : i32 to vector<16xi32>
        %lt3A_128 = arith.cmpi slt, %sub3A_122, %lt3A_127 : vector<16xi32>
        %and3A_129 = arith.andi %ge3A_125, %lt3A_128 : vector<16xi1>
        %jit3A_130 = arith.constant 5000 : i32
        %broadcast_in_dim3A_131 = vector.broadcast %jit3A_130 : i32 to vector<16xi32>
        %select_n3A_132 = arith.select %and3A_129, %sub3A_122, %broadcast_in_dim3A_131 : vector<16xi1>, vector<16xi32>
        %swap3A_133 = arith.constant 64 : index
        %swap3A_134 = tpu.vector_load %arg10[%swap3A_133] {strides = array<i32>} : memref<80xi32, #tpu.memory_space<vmem>>, vector<16xi32>,
        tpu.vector_store %arg10[%swap3A_133], %select_n3A_132 {strides = array<i32>} : memref<80xi32, #tpu.memory_space<vmem>>, vector<16xi32>,
        %dma_wait3A_135 = arith.constant 0 : i32
        %dma_wait3A_136 = tpu.memref_slice %arg7[%dma_wait3A_135] : memref<20000xi32, #tpu.memory_space<vmem>> -> memref<80xi32, #tpu.memory_space<vmem>>
        %dma_wait3A_137 = arith.constant 0 : i32
        %dma_wait3A_138 = arith.constant 0 : i32
        %dma_wait3A_139 = tpu.memref_slice %arg2[%dma_wait3A_137, %dma_wait3A_138] : memref<10000x128xf32, #tpu.memory_space<hbm>> -> memref<10000x128xf32, #tpu.memory_space<hbm>>
        tpu.wait_indirect_dma semaphore(%arg15 : memref<!tpu.dma_semaphore, #tpu.memory_space<semaphore_mem>>) src(%dma_wait3A_139 : memref<10000x128xf32, #tpu.memory_space<hbm>>) dst(%arg12 : memref<80x128xf32, #tpu.memory_space<vmem>>)
        %dma_start3A_140 = arith.constant 0 : i32
        %dma_start3A_141 = arith.constant 0 : i32
        %dma_start3A_142 = tpu.memref_slice %arg13[%dma_start3A_140, %dma_start3A_141] : memref<5008x128xf32, #tpu.memory_space<vmem_shared>> -> memref<5008x128xf32, #tpu.memory_space<vmem_shared>>
        tpu.enqueue_indirect_dma source(%arg12 : memref<80x128xf32, #tpu.memory_space<vmem>>) target(%dma_start3A_142 : memref<5008x128xf32, #tpu.memory_space<vmem_shared>>) offsets(%arg10 : memref<80xi32, #tpu.memory_space<vmem>>) semaphore(%arg17 : memref<!tpu.dma_semaphore, #tpu.memory_space<semaphore_mem>>) {add = true}
        %ge3A_143 = arith.constant 1 : i32
        %ge3A_144 = arith.cmpi sge, %scan3A_33, %ge3A_143 : i32
        %convert_element_type3A_145 = arith.extui %ge3A_144 : i1 to i32
        %cond3A_146 = arith.constant 0 : i32
        %cond3A_147 = arith.cmpi ne, %convert_element_type3A_145, %cond3A_146 : i32
        scf.if %cond3A_147 {
          %dma_wait3A_155 = arith.constant 0 : i32
          %dma_wait3A_156 = arith.constant 0 : i32
          %dma_wait3A_157 = tpu.memref_slice %arg13[%dma_wait3A_155, %dma_wait3A_156] : memref<5008x128xf32, #tpu.memory_space<vmem_shared>> -> memref<5008x128xf32, #tpu.memory_space<vmem_shared>>
          tpu.wait_indirect_dma semaphore(%arg16 : memref<!tpu.dma_semaphore, #tpu.memory_space<semaphore_mem>>) src(%arg11 : memref<80x128xf32, #tpu.memory_space<vmem>>) dst(%dma_wait3A_157 : memref<5008x128xf32, #tpu.memory_space<vmem_shared>>)
        } else {
        }
        %add3A_148 = arith.constant 1 : i32
        %add3A_149 = arith.addi %scan3A_33, %add3A_148 : i32
        %lt3A_150 = arith.constant 250 : i32
        %lt3A_151 = arith.cmpi slt, %add3A_149, %lt3A_150 : i32
        %convert_element_type3A_152 = arith.extui %lt3A_151 : i1 to i32
        %cond3A_153 = arith.constant 0 : i32
        %cond3A_154 = arith.cmpi ne, %convert_element_type3A_152, %cond3A_153 : i32
        scf.if %cond3A_154 {
          %add3A_155 = arith.constant 1 : i32
          %add3A_156 = arith.addi %scan3A_33, %add3A_155 : i32
          %mul3A_157 = arith.constant 80 : i32
          %mul3A_158 = arith.muli %add3A_156, %mul3A_157 : i32
          %dma_start3A_159 = tpu.memref_slice %arg7[%mul3A_158] : memref<20000xi32, #tpu.memory_space<vmem>> -> memref<80xi32, #tpu.memory_space<vmem>>
          %dma_start3A_160 = arith.constant 0 : i32
          %dma_start3A_161 = arith.constant 0 : i32
          %dma_start3A_162 = tpu.memref_slice %arg2[%dma_start3A_160, %dma_start3A_161] : memref<10000x128xf32, #tpu.memory_space<hbm>> -> memref<10000x128xf32, #tpu.memory_space<hbm>>
          tpu.enqueue_indirect_dma source(%dma_start3A_162 : memref<10000x128xf32, #tpu.memory_space<hbm>>) target(%arg11 : memref<80x128xf32, #tpu.memory_space<vmem>>) offsets(%dma_start3A_159 : memref<80xi32, #tpu.memory_space<vmem>>) semaphore(%arg14 : memref<!tpu.dma_semaphore, #tpu.memory_space<semaphore_mem>>)
        } else {
        }
      } else {
      }
    }
    %scan3A_19 = arith.constant 250 : i32
    %dma_wait3A = arith.constant 0 : i32
    %dma_wait3A_20 = arith.constant 0 : i32
    %dma_wait3A_21 = tpu.memref_slice %arg13[%dma_wait3A, %dma_wait3A_20] : memref<5008x128xf32, #tpu.memory_space<vmem_shared>> -> memref<5008x128xf32, #tpu.memory_space<vmem_shared>>
    tpu.wait_indirect_dma semaphore(%arg17 : memref<!tpu.dma_semaphore, #tpu.memory_space<semaphore_mem>>) src(%arg12 : memref<80x128xf32, #tpu.memory_space<vmem>>) dst(%dma_wait3A_21 : memref<5008x128xf32, #tpu.memory_space<vmem_shared>>)
    %barrier3A_22 = arith.constant 0 : index
    tpu.barrier barrier_id(%barrier3A_22)
    %lt3A_23 = arith.constant 15 : i32
    %lt3A_24 = arith.cmpi slt, %arg1, %lt3A_23 : i32
    %convert_element_type3A_25 = arith.extui %lt3A_24 : i1 to i32
    %cond3A_26 = arith.constant 0 : i32
    %cond3A_27 = arith.cmpi ne, %convert_element_type3A_25, %cond3A_26 : i32
    scf.if %cond3A_27 {
      "tpu.region"() ({
        %run_scoped3A = tpu.sem_alloc : memref<!tpu.dma_semaphore, #tpu.memory_space<semaphore_mem>>
        %dma_start3A_33 = arith.constant 0 : i32
        %dma_start3A_34 = tpu.memref_slice %arg6[%arg0, %mul3A_2, %dma_start3A_33] : memref<2x5000x128xf32, #tpu.memory_space<hbm>> -> memref<1x312x128xf32, #tpu.memory_space<hbm>>
        %dma_start3A_35 = tpu.memref_squeeze %dma_start3A_34 : memref<1x312x128xf32, #tpu.memory_space<hbm>> -> memref<312x128xf32, #tpu.memory_space<hbm>>
        %dma_start3A_36 = arith.constant 0 : i32
        %dma_start3A_37 = tpu.memref_slice %arg13[%mul3A_2, %dma_start3A_36] : memref<5008x128xf32, #tpu.memory_space<vmem_shared>> -> memref<312x128xf32, #tpu.memory_space<vmem_shared>>
        tpu.enqueue_dma source(%dma_start3A_37 : memref<312x128xf32, #tpu.memory_space<vmem_shared>>) target(%dma_start3A_35 : memref<312x128xf32, #tpu.memory_space<hbm>>) target_semaphore(%run_scoped3A : memref<!tpu.dma_semaphore, #tpu.memory_space<semaphore_mem>>)
        %dma_wait3A_38 = arith.constant 0 : i32
        %dma_wait3A_39 = tpu.memref_slice %arg6[%arg0, %mul3A_2, %dma_wait3A_38] : memref<2x5000x128xf32, #tpu.memory_space<hbm>> -> memref<1x312x128xf32, #tpu.memory_space<hbm>>
        %dma_wait3A_40 = tpu.memref_squeeze %dma_wait3A_39 : memref<1x312x128xf32, #tpu.memory_space<hbm>> -> memref<312x128xf32, #tpu.memory_space<hbm>>
        %dma_wait3A_41 = arith.constant 0 : i32
        %dma_wait3A_42 = tpu.memref_slice %arg13[%mul3A_2, %dma_wait3A_41] : memref<5008x128xf32, #tpu.memory_space<vmem_shared>> -> memref<312x128xf32, #tpu.memory_space<vmem_shared>>
        tpu.wait_dma2 semaphore(%run_scoped3A : memref<!tpu.dma_semaphore, #tpu.memory_space<semaphore_mem>>) src(%dma_wait3A_42 : memref<312x128xf32, #tpu.memory_space<vmem_shared>>) dst(%dma_wait3A_40 : memref<312x128xf32, #tpu.memory_space<hbm>>)
        tpu.yield
      }) : () -> ()
    } else {
    }
    %eq3A_28 = arith.constant 15 : i32
    %eq3A_29 = arith.cmpi eq, %arg1, %eq3A_28 : i32
    %convert_element_type3A_30 = arith.extui %eq3A_29 : i1 to i32
    %cond3A_31 = arith.constant 0 : i32
    %cond3A_32 = arith.cmpi ne, %convert_element_type3A_30, %cond3A_31 : i32
    scf.if %cond3A_32 {
      "tpu.region"() ({
        %run_scoped3A = tpu.sem_alloc : memref<!tpu.dma_semaphore, #tpu.memory_space<semaphore_mem>>
        %dma_start3A_33 = arith.constant 0 : i32
        %dma_start3A_34 = tpu.memref_slice %arg6[%arg0, %mul3A_2, %dma_start3A_33] : memref<2x5000x128xf32, #tpu.memory_space<hbm>> -> memref<1x320x128xf32, #tpu.memory_space<hbm>>
        %dma_start3A_35 = tpu.memref_squeeze %dma_start3A_34 : memref<1x320x128xf32, #tpu.memory_space<hbm>> -> memref<320x128xf32, #tpu.memory_space<hbm>>
        %dma_start3A_36 = arith.constant 0 : i32
        %dma_start3A_37 = tpu.memref_slice %arg13[%mul3A_2, %dma_start3A_36] : memref<5008x128xf32, #tpu.memory_space<vmem_shared>> -> memref<320x128xf32, #tpu.memory_space<vmem_shared>>
        tpu.enqueue_dma source(%dma_start3A_37 : memref<320x128xf32, #tpu.memory_space<vmem_shared>>) target(%dma_start3A_35 : memref<320x128xf32, #tpu.memory_space<hbm>>) target_semaphore(%run_scoped3A : memref<!tpu.dma_semaphore, #tpu.memory_space<semaphore_mem>>)
        %dma_wait3A_38 = arith.constant 0 : i32
        %dma_wait3A_39 = tpu.memref_slice %arg6[%arg0, %mul3A_2, %dma_wait3A_38] : memref<2x5000x128xf32, #tpu.memory_space<hbm>> -> memref<1x320x128xf32, #tpu.memory_space<hbm>>
        %dma_wait3A_40 = tpu.memref_squeeze %dma_wait3A_39 : memref<1x320x128xf32, #tpu.memory_space<hbm>> -> memref<320x128xf32, #tpu.memory_space<hbm>>
        %dma_wait3A_41 = arith.constant 0 : i32
        %dma_wait3A_42 = tpu.memref_slice %arg13[%mul3A_2, %dma_wait3A_41] : memref<5008x128xf32, #tpu.memory_space<vmem_shared>> -> memref<320x128xf32, #tpu.memory_space<vmem_shared>>
        tpu.wait_dma2 semaphore(%run_scoped3A : memref<!tpu.dma_semaphore, #tpu.memory_space<semaphore_mem>>) src(%dma_wait3A_42 : memref<320x128xf32, #tpu.memory_space<vmem_shared>>) dst(%dma_wait3A_40 : memref<320x128xf32, #tpu.memory_space<hbm>>)
        tpu.yield
      }) : () -> ()
    } else {
    }
    return
  }
}

module attributes {stable_mosaic.version = 14 : i64} {
  func.func @_mid_body(%arg0: i32, %arg1: memref<1000x128xf32, #tpu.memory_space<vmem>>, %arg2: memref<1000x1xf32, #tpu.memory_space<vmem>>, %arg3: memref<1000x128xf32, #tpu.memory_space<vmem>>, %arg4: memref<128x128xf32, #tpu.memory_space<vmem>>, %arg5: memref<128x128xf32, #tpu.memory_space<vmem>>, %arg6: memref<1x128xf32, #tpu.memory_space<vmem>>, %arg7: memref<1000x128xf32, #tpu.memory_space<vmem>>) attributes {dimension_semantics = [#tpu.dimension_semantics<arbitrary>], iteration_bounds = array<i64: 10>, scalar_prefetch = 0 : i64, scratch_operands = 0 : i64, tpu.core_type = #tpu.core_type<tc>, window_params = [{transform_indices = @transform_0, window_bounds = array<i64: 1000, 128>}, {transform_indices = @transform_1, window_bounds = array<i64: 1000, 1>}, {transform_indices = @transform_2, window_bounds = array<i64: 1000, 128>}, {pipeline_mode = #tpu.pipeline_mode<synchronous>, transform_indices = @transform_3, window_bounds = array<i64: 128, 128>}, {pipeline_mode = #tpu.pipeline_mode<synchronous>, transform_indices = @transform_4, window_bounds = array<i64: 128, 128>}, {pipeline_mode = #tpu.pipeline_mode<synchronous>, transform_indices = @transform_5, window_bounds = array<i64: 1, 128>}, {transform_indices = @transform_6, window_bounds = array<i64: 1000, 128>}]} {
    %get3A = arith.constant 0 : index
    %get3A_0 = arith.constant 0 : index
    %get3A_1 = vector.load %arg2[%get3A, %get3A_0] : memref<1000x1xf32, #tpu.memory_space<vmem>>, vector<1000x1xf32>
    %max3A = arith.constant 1.000000e+00 : f32
    %max3A_2 = vector.broadcast %max3A : f32 to vector<1000x1xf32>
    %max3A_3 = arith.maximumf %get3A_1, %max3A_2 : vector<1000x1xf32>
    %get3A_4 = arith.constant 0 : index
    %get3A_5 = arith.constant 0 : index
    %get3A_6 = vector.load %arg1[%get3A_4, %get3A_5] : memref<1000x128xf32, #tpu.memory_space<vmem>>, vector<1000x128xf32>
    %div3A = vector.broadcast %max3A_3 : vector<1000x1xf32> to vector<1000x128xf32>
    %div3A_7 = arith.divf %get3A_6, %div3A : vector<1000x128xf32>
    %get3A_8 = arith.constant 0 : index
    %get3A_9 = arith.constant 0 : index
    %get3A_10 = vector.load %arg4[%get3A_8, %get3A_9] : memref<128x128xf32, #tpu.memory_space<vmem>>, vector<128x128xf32>
    %dot_general3A = arith.constant dense<0.000000e+00> : vector<1000x128xf32>
    %dot_general3A_11 = tpu.matmul %div3A_7, %get3A_10, %dot_general3A {dimension_numbers = #tpu.dot_dimension_numbers<[1], [0], [0], [1], [0, 0, 1, 1], [], []>, transpose_lhs_hint = false} : vector<1000x128xf32>, vector<128x128xf32>, vector<1000x128xf32> -> vector<1000x128xf32>
    %get3A_12 = arith.constant 0 : index
    %get3A_13 = arith.constant 0 : index
    %get3A_14 = vector.load %arg3[%get3A_12, %get3A_13] : memref<1000x128xf32, #tpu.memory_space<vmem>>, vector<1000x128xf32>
    %get3A_15 = arith.constant 0 : index
    %get3A_16 = arith.constant 0 : index
    %get3A_17 = vector.load %arg5[%get3A_15, %get3A_16] : memref<128x128xf32, #tpu.memory_space<vmem>>, vector<128x128xf32>
    %dot_general3A_18 = arith.constant dense<0.000000e+00> : vector<1000x128xf32>
    %dot_general3A_19 = tpu.matmul %get3A_14, %get3A_17, %dot_general3A_18 {dimension_numbers = #tpu.dot_dimension_numbers<[1], [0], [0], [1], [0, 0, 1, 1], [], []>, transpose_lhs_hint = false} : vector<1000x128xf32>, vector<128x128xf32>, vector<1000x128xf32> -> vector<1000x128xf32>
    %add3A = arith.addf %dot_general3A_11, %dot_general3A_19 : vector<1000x128xf32>
    %get3A_20 = arith.constant 0 : index
    %get3A_21 = arith.constant 0 : index
    %get3A_22 = vector.load %arg6[%get3A_20, %get3A_21] : memref<1x128xf32, #tpu.memory_space<vmem>>, vector<1x128xf32>
    %add3A_23 = vector.broadcast %get3A_22 : vector<1x128xf32> to vector<1000x128xf32>
    %add3A_24 = arith.addf %add3A, %add3A_23 : vector<1000x128xf32>
    %max3A_25 = arith.constant 0.000000e+00 : f32
    %max3A_26 = vector.broadcast %max3A_25 : f32 to vector<1000x128xf32>
    %max3A_27 = arith.maximumf %add3A_24, %max3A_26 : vector<1000x128xf32>
    %swap3A = arith.constant 0 : index
    %swap3A_28 = arith.constant 0 : index
    %swap3A_29 = vector.load %arg7[%swap3A, %swap3A_28] : memref<1000x128xf32, #tpu.memory_space<vmem>>, vector<1000x128xf32>
    tpu.vector_store %arg7[%swap3A, %swap3A_28], %max3A_27 {strides = array<i32>} : memref<1000x128xf32, #tpu.memory_space<vmem>>, vector<1000x128xf32>,
    return
  }
  func.func @transform_0(%arg0: i32) -> (i32, i32) {
    %c0_i32 = arith.constant 0 : i32
    %c0_i32_0 = arith.constant 0 : i32
    return %arg0, %c0_i32 : i32, i32
  }
  func.func @transform_1(%arg0: i32) -> (i32, i32) {
    %c0_i32 = arith.constant 0 : i32
    %c0_i32_0 = arith.constant 0 : i32
    return %arg0, %c0_i32 : i32, i32
  }
  func.func @transform_2(%arg0: i32) -> (i32, i32) {
    %c0_i32 = arith.constant 0 : i32
    %c0_i32_0 = arith.constant 0 : i32
    return %arg0, %c0_i32 : i32, i32
  }
  func.func @transform_3(%arg0: i32) -> (i32, i32) {
    %c0_i32 = arith.constant 0 : i32
    %c0_i32_0 = arith.constant 0 : i32
    %c0_i32_1 = arith.constant 0 : i32
    return %c0_i32, %c0_i32_0 : i32, i32
  }
  func.func @transform_4(%arg0: i32) -> (i32, i32) {
    %c0_i32 = arith.constant 0 : i32
    %c0_i32_0 = arith.constant 0 : i32
    %c0_i32_1 = arith.constant 0 : i32
    return %c0_i32, %c0_i32_0 : i32, i32
  }
  func.func @transform_5(%arg0: i32) -> (i32, i32) {
    %c0_i32 = arith.constant 0 : i32
    %c0_i32_0 = arith.constant 0 : i32
    %c0_i32_1 = arith.constant 0 : i32
    return %c0_i32, %c0_i32_0 : i32, i32
  }
  func.func @transform_6(%arg0: i32) -> (i32, i32) {
    %c0_i32 = arith.constant 0 : i32
    %c0_i32_0 = arith.constant 0 : i32
    return %arg0, %c0_i32 : i32, i32
  }
}

module attributes {stable_mosaic.version = 14 : i64} {
  func.func @_cntred_body(%arg0: memref<16x80x128xf32, #tpu.memory_space<vmem>>, %arg1: memref<80x128xf32, #tpu.memory_space<vmem>>) attributes {dimension_semantics = [], scalar_prefetch = 0 : i64, scratch_operands = 0 : i64, tpu.core_type = #tpu.core_type<tc>} {
    %get3A = arith.constant 0 : index
    %get3A_0 = arith.constant 0 : index
    %get3A_1 = arith.constant 0 : index
    %get3A_2 = vector.load %arg0[%get3A, %get3A_0, %get3A_1] : memref<16x80x128xf32, #tpu.memory_space<vmem>>, vector<1x80x128xf32>
    %get3A_3 = vector.shape_cast %get3A_2 : vector<1x80x128xf32> to vector<80x128xf32>
    %get3A_4 = arith.constant 1 : index
    %get3A_5 = arith.constant 0 : index
    %get3A_6 = arith.constant 0 : index
    %get3A_7 = vector.load %arg0[%get3A_4, %get3A_5, %get3A_6] : memref<16x80x128xf32, #tpu.memory_space<vmem>>, vector<1x80x128xf32>
    %get3A_8 = vector.shape_cast %get3A_7 : vector<1x80x128xf32> to vector<80x128xf32>
    %add3A = arith.addf %get3A_3, %get3A_8 : vector<80x128xf32>
    %get3A_9 = arith.constant 2 : index
    %get3A_10 = arith.constant 0 : index
    %get3A_11 = arith.constant 0 : index
    %get3A_12 = vector.load %arg0[%get3A_9, %get3A_10, %get3A_11] : memref<16x80x128xf32, #tpu.memory_space<vmem>>, vector<1x80x128xf32>
    %get3A_13 = vector.shape_cast %get3A_12 : vector<1x80x128xf32> to vector<80x128xf32>
    %add3A_14 = arith.addf %add3A, %get3A_13 : vector<80x128xf32>
    %get3A_15 = arith.constant 3 : index
    %get3A_16 = arith.constant 0 : index
    %get3A_17 = arith.constant 0 : index
    %get3A_18 = vector.load %arg0[%get3A_15, %get3A_16, %get3A_17] : memref<16x80x128xf32, #tpu.memory_space<vmem>>, vector<1x80x128xf32>
    %get3A_19 = vector.shape_cast %get3A_18 : vector<1x80x128xf32> to vector<80x128xf32>
    %add3A_20 = arith.addf %add3A_14, %get3A_19 : vector<80x128xf32>
    %get3A_21 = arith.constant 4 : index
    %get3A_22 = arith.constant 0 : index
    %get3A_23 = arith.constant 0 : index
    %get3A_24 = vector.load %arg0[%get3A_21, %get3A_22, %get3A_23] : memref<16x80x128xf32, #tpu.memory_space<vmem>>, vector<1x80x128xf32>
    %get3A_25 = vector.shape_cast %get3A_24 : vector<1x80x128xf32> to vector<80x128xf32>
    %add3A_26 = arith.addf %add3A_20, %get3A_25 : vector<80x128xf32>
    %get3A_27 = arith.constant 5 : index
    %get3A_28 = arith.constant 0 : index
    %get3A_29 = arith.constant 0 : index
    %get3A_30 = vector.load %arg0[%get3A_27, %get3A_28, %get3A_29] : memref<16x80x128xf32, #tpu.memory_space<vmem>>, vector<1x80x128xf32>
    %get3A_31 = vector.shape_cast %get3A_30 : vector<1x80x128xf32> to vector<80x128xf32>
    %add3A_32 = arith.addf %add3A_26, %get3A_31 : vector<80x128xf32>
    %get3A_33 = arith.constant 6 : index
    %get3A_34 = arith.constant 0 : index
    %get3A_35 = arith.constant 0 : index
    %get3A_36 = vector.load %arg0[%get3A_33, %get3A_34, %get3A_35] : memref<16x80x128xf32, #tpu.memory_space<vmem>>, vector<1x80x128xf32>
    %get3A_37 = vector.shape_cast %get3A_36 : vector<1x80x128xf32> to vector<80x128xf32>
    %add3A_38 = arith.addf %add3A_32, %get3A_37 : vector<80x128xf32>
    %get3A_39 = arith.constant 7 : index
    %get3A_40 = arith.constant 0 : index
    %get3A_41 = arith.constant 0 : index
    %get3A_42 = vector.load %arg0[%get3A_39, %get3A_40, %get3A_41] : memref<16x80x128xf32, #tpu.memory_space<vmem>>, vector<1x80x128xf32>
    %get3A_43 = vector.shape_cast %get3A_42 : vector<1x80x128xf32> to vector<80x128xf32>
    %add3A_44 = arith.addf %add3A_38, %get3A_43 : vector<80x128xf32>
    %get3A_45 = arith.constant 8 : index
    %get3A_46 = arith.constant 0 : index
    %get3A_47 = arith.constant 0 : index
    %get3A_48 = vector.load %arg0[%get3A_45, %get3A_46, %get3A_47] : memref<16x80x128xf32, #tpu.memory_space<vmem>>, vector<1x80x128xf32>
    %get3A_49 = vector.shape_cast %get3A_48 : vector<1x80x128xf32> to vector<80x128xf32>
    %add3A_50 = arith.addf %add3A_44, %get3A_49 : vector<80x128xf32>
    %get3A_51 = arith.constant 9 : index
    %get3A_52 = arith.constant 0 : index
    %get3A_53 = arith.constant 0 : index
    %get3A_54 = vector.load %arg0[%get3A_51, %get3A_52, %get3A_53] : memref<16x80x128xf32, #tpu.memory_space<vmem>>, vector<1x80x128xf32>
    %get3A_55 = vector.shape_cast %get3A_54 : vector<1x80x128xf32> to vector<80x128xf32>
    %add3A_56 = arith.addf %add3A_50, %get3A_55 : vector<80x128xf32>
    %get3A_57 = arith.constant 10 : index
    %get3A_58 = arith.constant 0 : index
    %get3A_59 = arith.constant 0 : index
    %get3A_60 = vector.load %arg0[%get3A_57, %get3A_58, %get3A_59] : memref<16x80x128xf32, #tpu.memory_space<vmem>>, vector<1x80x128xf32>
    %get3A_61 = vector.shape_cast %get3A_60 : vector<1x80x128xf32> to vector<80x128xf32>
    %add3A_62 = arith.addf %add3A_56, %get3A_61 : vector<80x128xf32>
    %get3A_63 = arith.constant 11 : index
    %get3A_64 = arith.constant 0 : index
    %get3A_65 = arith.constant 0 : index
    %get3A_66 = vector.load %arg0[%get3A_63, %get3A_64, %get3A_65] : memref<16x80x128xf32, #tpu.memory_space<vmem>>, vector<1x80x128xf32>
    %get3A_67 = vector.shape_cast %get3A_66 : vector<1x80x128xf32> to vector<80x128xf32>
    %add3A_68 = arith.addf %add3A_62, %get3A_67 : vector<80x128xf32>
    %get3A_69 = arith.constant 12 : index
    %get3A_70 = arith.constant 0 : index
    %get3A_71 = arith.constant 0 : index
    %get3A_72 = vector.load %arg0[%get3A_69, %get3A_70, %get3A_71] : memref<16x80x128xf32, #tpu.memory_space<vmem>>, vector<1x80x128xf32>
    %get3A_73 = vector.shape_cast %get3A_72 : vector<1x80x128xf32> to vector<80x128xf32>
    %add3A_74 = arith.addf %add3A_68, %get3A_73 : vector<80x128xf32>
    %get3A_75 = arith.constant 13 : index
    %get3A_76 = arith.constant 0 : index
    %get3A_77 = arith.constant 0 : index
    %get3A_78 = vector.load %arg0[%get3A_75, %get3A_76, %get3A_77] : memref<16x80x128xf32, #tpu.memory_space<vmem>>, vector<1x80x128xf32>
    %get3A_79 = vector.shape_cast %get3A_78 : vector<1x80x128xf32> to vector<80x128xf32>
    %add3A_80 = arith.addf %add3A_74, %get3A_79 : vector<80x128xf32>
    %get3A_81 = arith.constant 14 : index
    %get3A_82 = arith.constant 0 : index
    %get3A_83 = arith.constant 0 : index
    %get3A_84 = vector.load %arg0[%get3A_81, %get3A_82, %get3A_83] : memref<16x80x128xf32, #tpu.memory_space<vmem>>, vector<1x80x128xf32>
    %get3A_85 = vector.shape_cast %get3A_84 : vector<1x80x128xf32> to vector<80x128xf32>
    %add3A_86 = arith.addf %add3A_80, %get3A_85 : vector<80x128xf32>
    %get3A_87 = arith.constant 15 : index
    %get3A_88 = arith.constant 0 : index
    %get3A_89 = arith.constant 0 : index
    %get3A_90 = vector.load %arg0[%get3A_87, %get3A_88, %get3A_89] : memref<16x80x128xf32, #tpu.memory_space<vmem>>, vector<1x80x128xf32>
    %get3A_91 = vector.shape_cast %get3A_90 : vector<1x80x128xf32> to vector<80x128xf32>
    %add3A_92 = arith.addf %add3A_86, %get3A_91 : vector<80x128xf32>
    %swap3A = arith.constant 0 : index
    %swap3A_93 = arith.constant 0 : index
    %swap3A_94 = vector.load %arg1[%swap3A, %swap3A_93] : memref<80x128xf32, #tpu.memory_space<vmem>>, vector<80x128xf32>
    tpu.vector_store %arg1[%swap3A, %swap3A_93], %add3A_92 {strides = array<i32>} : memref<80x128xf32, #tpu.memory_space<vmem>>, vector<80x128xf32>,
    return
  }
}

module attributes {stable_mosaic.version = 14 : i64} {
  func.func @_out_body(%arg0: i32, %arg1: memref<1000x128xf32, #tpu.memory_space<vmem>>, %arg2: memref<1000x1xf32, #tpu.memory_space<vmem>>, %arg3: memref<1000x128xf32, #tpu.memory_space<vmem>>, %arg4: memref<128x128xf32, #tpu.memory_space<vmem>>, %arg5: memref<128x128xf32, #tpu.memory_space<vmem>>, %arg6: memref<1x128xf32, #tpu.memory_space<vmem>>, %arg7: memref<128x128xf32, #tpu.memory_space<vmem>>, %arg8: memref<1x128xf32, #tpu.memory_space<vmem>>, %arg9: memref<1000x128xf32, #tpu.memory_space<vmem>>) attributes {dimension_semantics = [#tpu.dimension_semantics<arbitrary>], iteration_bounds = array<i64: 10>, scalar_prefetch = 0 : i64, scratch_operands = 0 : i64, tpu.core_type = #tpu.core_type<tc>, window_params = [{transform_indices = @transform_0, window_bounds = array<i64: 1000, 128>}, {transform_indices = @transform_1, window_bounds = array<i64: 1000, 1>}, {transform_indices = @transform_2, window_bounds = array<i64: 1000, 128>}, {pipeline_mode = #tpu.pipeline_mode<synchronous>, transform_indices = @transform_3, window_bounds = array<i64: 128, 128>}, {pipeline_mode = #tpu.pipeline_mode<synchronous>, transform_indices = @transform_4, window_bounds = array<i64: 128, 128>}, {pipeline_mode = #tpu.pipeline_mode<synchronous>, transform_indices = @transform_5, window_bounds = array<i64: 1, 128>}, {pipeline_mode = #tpu.pipeline_mode<synchronous>, transform_indices = @transform_6, window_bounds = array<i64: 128, 128>}, {pipeline_mode = #tpu.pipeline_mode<synchronous>, transform_indices = @transform_7, window_bounds = array<i64: 1, 128>}, {transform_indices = @transform_8, window_bounds = array<i64: 1000, 128>}]} {
    %get3A = arith.constant 0 : index
    %get3A_0 = arith.constant 0 : index
    %get3A_1 = vector.load %arg2[%get3A, %get3A_0] : memref<1000x1xf32, #tpu.memory_space<vmem>>, vector<1000x1xf32>
    %max3A = arith.constant 1.000000e+00 : f32
    %max3A_2 = vector.broadcast %max3A : f32 to vector<1000x1xf32>
    %max3A_3 = arith.maximumf %get3A_1, %max3A_2 : vector<1000x1xf32>
    %get3A_4 = arith.constant 0 : index
    %get3A_5 = arith.constant 0 : index
    %get3A_6 = vector.load %arg1[%get3A_4, %get3A_5] : memref<1000x128xf32, #tpu.memory_space<vmem>>, vector<1000x128xf32>
    %div3A = vector.broadcast %max3A_3 : vector<1000x1xf32> to vector<1000x128xf32>
    %div3A_7 = arith.divf %get3A_6, %div3A : vector<1000x128xf32>
    %get3A_8 = arith.constant 0 : index
    %get3A_9 = arith.constant 0 : index
    %get3A_10 = vector.load %arg4[%get3A_8, %get3A_9] : memref<128x128xf32, #tpu.memory_space<vmem>>, vector<128x128xf32>
    %dot_general3A = arith.constant dense<0.000000e+00> : vector<1000x128xf32>
    %dot_general3A_11 = tpu.matmul %div3A_7, %get3A_10, %dot_general3A {dimension_numbers = #tpu.dot_dimension_numbers<[1], [0], [0], [1], [0, 0, 1, 1], [], []>, transpose_lhs_hint = false} : vector<1000x128xf32>, vector<128x128xf32>, vector<1000x128xf32> -> vector<1000x128xf32>
    %get3A_12 = arith.constant 0 : index
    %get3A_13 = arith.constant 0 : index
    %get3A_14 = vector.load %arg3[%get3A_12, %get3A_13] : memref<1000x128xf32, #tpu.memory_space<vmem>>, vector<1000x128xf32>
    %get3A_15 = arith.constant 0 : index
    %get3A_16 = arith.constant 0 : index
    %get3A_17 = vector.load %arg5[%get3A_15, %get3A_16] : memref<128x128xf32, #tpu.memory_space<vmem>>, vector<128x128xf32>
    %dot_general3A_18 = arith.constant dense<0.000000e+00> : vector<1000x128xf32>
    %dot_general3A_19 = tpu.matmul %get3A_14, %get3A_17, %dot_general3A_18 {dimension_numbers = #tpu.dot_dimension_numbers<[1], [0], [0], [1], [0, 0, 1, 1], [], []>, transpose_lhs_hint = false} : vector<1000x128xf32>, vector<128x128xf32>, vector<1000x128xf32> -> vector<1000x128xf32>
    %add3A = arith.addf %dot_general3A_11, %dot_general3A_19 : vector<1000x128xf32>
    %get3A_20 = arith.constant 0 : index
    %get3A_21 = arith.constant 0 : index
    %get3A_22 = vector.load %arg6[%get3A_20, %get3A_21] : memref<1x128xf32, #tpu.memory_space<vmem>>, vector<1x128xf32>
    %add3A_23 = vector.broadcast %get3A_22 : vector<1x128xf32> to vector<1000x128xf32>
    %add3A_24 = arith.addf %add3A, %add3A_23 : vector<1000x128xf32>
    %max3A_25 = arith.constant 0.000000e+00 : f32
    %max3A_26 = vector.broadcast %max3A_25 : f32 to vector<1000x128xf32>
    %max3A_27 = arith.maximumf %add3A_24, %max3A_26 : vector<1000x128xf32>
    %get3A_28 = arith.constant 0 : index
    %get3A_29 = arith.constant 0 : index
    %get3A_30 = vector.load %arg7[%get3A_28, %get3A_29] : memref<128x128xf32, #tpu.memory_space<vmem>>, vector<128x128xf32>
    %dot_general3A_31 = arith.constant dense<0.000000e+00> : vector<1000x128xf32>
    %dot_general3A_32 = tpu.matmul %max3A_27, %get3A_30, %dot_general3A_31 {dimension_numbers = #tpu.dot_dimension_numbers<[1], [0], [0], [1], [0, 0, 1, 1], [], []>, transpose_lhs_hint = false} : vector<1000x128xf32>, vector<128x128xf32>, vector<1000x128xf32> -> vector<1000x128xf32>
    %get3A_33 = arith.constant 0 : index
    %get3A_34 = arith.constant 0 : index
    %get3A_35 = vector.load %arg8[%get3A_33, %get3A_34] : memref<1x128xf32, #tpu.memory_space<vmem>>, vector<1x128xf32>
    %add3A_36 = vector.broadcast %get3A_35 : vector<1x128xf32> to vector<1000x128xf32>
    %add3A_37 = arith.addf %dot_general3A_32, %add3A_36 : vector<1000x128xf32>
    %logistic3A = arith.negf %add3A_37 : vector<1000x128xf32>
    %logistic3A_38 = math.exp %logistic3A : vector<1000x128xf32>
    %logistic3A_39 = arith.constant 1.000000e+00 : f32
    %logistic3A_40 = vector.broadcast %logistic3A_39 : f32 to vector<1000x128xf32>
    %logistic3A_41 = arith.addf %logistic3A_40, %logistic3A_38 : vector<1000x128xf32>
    %logistic3A_42 = arith.divf %logistic3A_40, %logistic3A_41 : vector<1000x128xf32>
    %swap3A = arith.constant 0 : index
    %swap3A_43 = arith.constant 0 : index
    %swap3A_44 = vector.load %arg9[%swap3A, %swap3A_43] : memref<1000x128xf32, #tpu.memory_space<vmem>>, vector<1000x128xf32>
    tpu.vector_store %arg9[%swap3A, %swap3A_43], %logistic3A_42 {strides = array<i32>} : memref<1000x128xf32, #tpu.memory_space<vmem>>, vector<1000x128xf32>,
    return
  }
  func.func @transform_0(%arg0: i32) -> (i32, i32) {
    %c0_i32 = arith.constant 0 : i32
    %c0_i32_0 = arith.constant 0 : i32
    return %arg0, %c0_i32 : i32, i32
  }
  func.func @transform_1(%arg0: i32) -> (i32, i32) {
    %c0_i32 = arith.constant 0 : i32
    %c0_i32_0 = arith.constant 0 : i32
    return %arg0, %c0_i32 : i32, i32
  }
  func.func @transform_2(%arg0: i32) -> (i32, i32) {
    %c0_i32 = arith.constant 0 : i32
    %c0_i32_0 = arith.constant 0 : i32
    return %arg0, %c0_i32 : i32, i32
  }
  func.func @transform_3(%arg0: i32) -> (i32, i32) {
    %c0_i32 = arith.constant 0 : i32
    %c0_i32_0 = arith.constant 0 : i32
    %c0_i32_1 = arith.constant 0 : i32
    return %c0_i32, %c0_i32_0 : i32, i32
  }
  func.func @transform_4(%arg0: i32) -> (i32, i32) {
    %c0_i32 = arith.constant 0 : i32
    %c0_i32_0 = arith.constant 0 : i32
    %c0_i32_1 = arith.constant 0 : i32
    return %c0_i32, %c0_i32_0 : i32, i32
  }
  func.func @transform_5(%arg0: i32) -> (i32, i32) {
    %c0_i32 = arith.constant 0 : i32
    %c0_i32_0 = arith.constant 0 : i32
    %c0_i32_1 = arith.constant 0 : i32
    return %c0_i32, %c0_i32_0 : i32, i32
  }
  func.func @transform_6(%arg0: i32) -> (i32, i32) {
    %c0_i32 = arith.constant 0 : i32
    %c0_i32_0 = arith.constant 0 : i32
    %c0_i32_1 = arith.constant 0 : i32
    return %c0_i32, %c0_i32_0 : i32, i32
  }
  func.func @transform_7(%arg0: i32) -> (i32, i32) {
    %c0_i32 = arith.constant 0 : i32
    %c0_i32_0 = arith.constant 0 : i32
    %c0_i32_1 = arith.constant 0 : i32
    return %c0_i32, %c0_i32_0 : i32, i32
  }
  func.func @transform_8(%arg0: i32) -> (i32, i32) {
    %c0_i32 = arith.constant 0 : i32
    %c0_i32_0 = arith.constant 0 : i32
    return %arg0, %c0_i32 : i32, i32
  }
}

</mosaic_0001>

<sc_bundles>
// kernel: kernel.10.cloned.1.call-start
scs
__scs_entry_jumppad:
0x0: {  	(pc) =	sbr.rel $0x88, $3  }
0x1: {  	(tag) =	ssettag $0x0;
	lr =	simm.s32 $0x1  }
0x2: {  	[smem:$0x3F97] =	sst lr;
	_ =	strace $0xD0000000  }
0x3: {  	_ = 	snop  }
0x4: {  	_ = 	snop  }
0x5: {  	_ = 	snop  }
0x6: {  	_ = 	snop  }
0x7: {  	_ = 	snop  }
__scs_overlays_trampoline_lowered:
0x8: {  	[smem:$0x3FA6] =	sst s0  }
0x9: {  	[smem:$0x3FA7] =	sst s1  }
0xa: {  	[smem:$0x3FA8] =	sst s2  }
0xb: {  	[smem:$0x3FA9] =	sst s3  }
0xc: {  	[smem:$0x3FAA] =	sst s4  }
0xd: {  	[smem:$0x3FAB] =	sst s5  }
0xe: {  	[smem:$0x3FAC] =	sst s6  }
0xf: {  	[smem:$0x3FAD] =	sst s7  }
0x10: {  	[smem:$0x3FAE] =	sst s8  }
0x11: {  	[smem:$0x3FAF] =	sst s9;
	s0 =	simm.s32 @!p0 $0x0  }
0x12: {  	s1 =	sld [smem:$0x3F95];
	s0 =	simm.s32 @p0 $0x1  }
0x13: {  	[smem:$0x3FB0] =	sst s0;
	s0 =	simm.s32 @!p1 $0x0  }
0x14: {  	s2 =	sld [smem:$0x3F94];
	s0 =	simm.s32 @p1 $0x1  }
0x15: {  	[smem:$0x3FB1] =	sst s0;
	s0 =	simm.s32 @!p2 $0x0  }
0x16: {  	s3 =	sld [smem:$0x3FDB];
	s0 =	simm.s32 @p2 $0x1  }
0x17: {  	s4 =	simm.s32 $0x1BF5;
	[smem:$0x3FB3] =	sst s0  }
0x18: {  	s0 =	sld [smem:$0x3F96];
	_ =	swait.ge [sflag:s4], $0x0  }
0x19: {  	s7 =	sld [smem:$0x3F97]  }
0x1a: {  	s8 =	sadd.s32 $0xFFFFE003, lr  }
0x1b: {  	s9 =	sadd.s32 $0xFFFFFEF7, lr;
	s5 =	simm.s32 $0xFFFFFFFF;
	p2 =	slt.u32 s8, $0xFFFFF086  }
0x1c: {  	p1 =	slt.u32 s9, $0xF7A;
	s5 =	simm.s32 @!p2 $0x0  }
0x1d: {  	s5 =	simm.s32 @p1 $0x1;
	p0 =	seq.s32 s7, s2  }
0x1e: {  	s7 =	smul.u32 @!p0 $0xF7A, s2;
	p2 =	seq.s32 @!p0 s5, $0x0  }
0x1f: {  	s9 =	smul.u32 $0xF7A, s1;
	s8 =	simm.s32 @!p0 $0x1BF5;
	p2 =	por !p2, p0  }
0x20: {  	[sflag:s8] =	ssyncset.s32 @!p0 $0xFFFFF086;
	s6 =	sadd.s32 @!p0 s3, s7;
	s7 =	simm.s32 @!p0 $0x108  }
0x21: {  	s3 =	sadd.s32 s3, s9;
	s6 =	sadd.s32 @!p0 $0x88, s6;
	s7 =	simm.s32 @p2 $0x1082  }
0x22: {  	[simem:s7], [sflag:s8] =	dma.local @!p0 [hbm:s6], $0xF7A  }
0x23: {  	s9 =	sor.u32 $0xD0000000, s2;
	s6 =	simm.s32 $0x108;
	_ =	swait.ge @!p0 [sflag:s8], $0x0  }
0x24: {  	s3 =	sadd.s32 $0x88, s3;
	s6 =	simm.s32 @!p1 $0x1082;
	[sflag:s4] =	ssyncset.s32 $0xFFFFF086  }
0x25: {  	[simem:s6], [sflag:s4] =	dma.local [hbm:s3], $0xF7A  }
0x26: {  	[smem:$0x3F97] =	sst s1;
	(tag) =	ssettag s2;
	_ =	strace s9  }
0x27: {  	s1 =	sld [smem:$0x3FA7]  }
0x28: {  	s2 =	sld [smem:$0x3FA8]  }
0x29: {  	s4 =	sld [smem:$0x3FAA]  }
0x2a: {  	p0 =	seq.s32 s5, $0x0;
	s5 =	sld [smem:$0x3FAB]  }
0x2b: {  	s6 =	sld [smem:$0x3FAC]  }
0x2c: {  	s7 =	sld [smem:$0x3FAD]  }
0x2d: {  	s3 =	simm.s32 $0x108;
	s8 =	sld [smem:$0x3FAE]  }
0x2e: {  	s3 =	simm.s32 @!p0 $0x1082;
	s9 =	sld [smem:$0x3FAF]  }
0x2f: {  	lr =	sadd.s32 s0, s3;
	s0 =	sld [smem:$0x3FA6]  }
0x30: {  	s3 =	sld [smem:$0x3FA9]  }
0x31: {  	[smem:$0x3FB2] =	sst s10  }
0x32: {  	s10 =	sld [smem:$0x3FB0];
	_ =	sdelay $0x3  }
0x33: {  	p0 =	seq.s32 s10, $0x1;
	s10 =	sld [smem:$0x3FB2];
	_ =	sdelay $0x3  }
0x34: {  	[smem:$0x3FB2] =	sst s10  }
0x35: {  	s10 =	sld [smem:$0x3FB1];
	_ =	sdelay $0x3  }
0x36: {  	p1 =	seq.s32 s10, $0x1;
	s10 =	sld [smem:$0x3FB2];
	_ =	sdelay $0x3  }
0x37: {  	[smem:$0x3FB2] =	sst s10  }
0x38: {  	s10 =	sld [smem:$0x3FB3]  }
0x39: {  	_ = 	snop;
	(pc) =	sbr.ind lr, $3  }
0x3a: {  	_ = 	snop  }
0x3b: {  	_ = 	snop  }
0x3c: {  	p2 =	seq.s32 s10, $0x1;
	s10 =	sld [smem:$0x3FB2]  }
0x3d: {  	_ =	shalt  }
0x3e: {  	_ =	shalt  }
0x3f: {  	_ =	shalt  }
0x40: {  	_ =	shalt  }
0x41: {  	_ =	shalt  }
0x42: {  	_ =	shalt  }
0x43: {  	_ =	shalt  }
0x44: {  	_ =	shalt  }
0x45: {  	_ =	shalt  }
0x46: {  	_ =	shalt  }
0x47: {  	_ =	shalt  }
0x48: {  	_ =	shalt  }
0x49: {  	_ =	shalt  }
0x4a: {  	_ =	shalt  }
0x4b: {  	_ =	shalt  }
0x4c: {  	_ =	shalt  }
0x4d: {  	_ =	shalt  }
0x4e: {  	_ =	shalt  }
0x4f: {  	_ =	shalt  }
0x50: {  	_ =	shalt  }
0x51: {  	_ =	shalt  }
0x52: {  	_ =	shalt  }
0x53: {  	_ =	shalt  }
0x54: {  	_ =	shalt  }
0x55: {  	_ =	shalt  }
0x56: {  	_ =	shalt  }
0x57: {  	_ =	shalt  }
0x58: {  	_ =	shalt  }
0x59: {  	_ =	shalt  }
0x5a: {  	_ =	shalt  }
0x5b: {  	_ =	shalt  }
0x5c: {  	_ =	shalt  }
0x5d: {  	_ =	shalt  }
0x5e: {  	_ =	shalt  }
0x5f: {  	_ =	shalt  }
0x60: {  	_ =	shalt  }
0x61: {  	_ =	shalt  }
0x62: {  	_ =	shalt  }
0x63: {  	_ =	shalt  }
0x64: {  	_ =	shalt  }
0x65: {  	_ =	shalt  }
0x66: {  	_ =	shalt  }
0x67: {  	_ =	shalt  }
0x68: {  	_ =	shalt  }
0x69: {  	_ =	shalt  }
0x6a: {  	_ =	shalt  }
0x6b: {  	_ =	shalt  }
0x6c: {  	_ =	shalt  }
0x6d: {  	_ =	shalt  }
0x6e: {  	_ =	shalt  }
0x6f: {  	_ =	shalt  }
0x70: {  	_ =	shalt  }
0x71: {  	_ =	shalt  }
0x72: {  	_ =	shalt  }
0x73: {  	_ =	shalt  }
0x74: {  	_ =	shalt  }
0x75: {  	_ =	shalt  }
0x76: {  	_ =	shalt  }
0x77: {  	_ =	shalt  }
0x78: {  	_ =	shalt  }
0x79: {  	_ =	shalt  }
0x7a: {  	_ =	shalt  }
0x7b: {  	_ =	shalt  }
0x7c: {  	_ =	shalt  }
0x7d: {  	_ =	shalt  }
0x7e: {  	_ =	shalt  }
0x7f: {  	_ =	shalt  }
0x80: {  	_ =	shalt  }
0x81: {  	_ =	shalt  }
0x82: {  	_ =	shalt  }
0x83: {  	_ =	shalt  }
0x84: {  	_ =	shalt  }
0x85: {  	_ =	shalt  }
0x86: {  	_ =	shalt  }
0x87: {  	_ =	shalt  }
.Lfunc_end0:
.L_simem_size_0:
called_computation.1_lowered:
.L_overlay_start_0:
0x88: {  	s2 =	sld [smem:$0x3FD9]  }
0x89: {  	s3 =	sld [smem:$0x3FFE];
	_ =	sdelay $0x1  }
0x8a: {  	s1 =	srdreg.scid  }
0x8b: {  	s0 =	sand.u32 $0x1, s1  }
0x8c: {  	s17 =	sshll.u32 s0, $0xA;
	s2 =	sadd.s32 s3, s2  }
0x8d: {  	s2 =	sadd.s32 s2, s17  }
0x8e: {  	[smem:$0x3FBE] =	sst s2  }
0x8f: {  	_ = 	snop  }
0x90: {  	s2 =	sld [smem:$0x3FD0];
	(tm) =	ssettm $0x1  }
0x91: {  	s18 =	sld [smem:$0x3FFB];
	_ =	sdelay $0x3  }
0x92: {  	_ =	strace s18  }
0x93: {  	s3 =	sld [smem:$0x3FFC];
	_ =	sdelay $0x3  }
0x94: {  	_ =	strace s3  }
0x95: {  	s3 =	sld [smem:$0x3FFD];
	_ =	sdelay $0x3  }
0x96: {  	_ =	strace s3  }
0x97: {  	_ =	strace $0x8FFFFFFF  }
0x98: {  	s19 =	sld [smem:$0x3FDB];
	_ =	sdelay $0x1  }
0x99: {  	s4 =	simm.s32 $_scs_section_size  }
0x9a: {  	s5 =	simm.s32 $_size__tile_overlayer_lowered;
	s6 =	simm.s32 $_tile_overlayer_lowered  }
0x9b: {  	s22 =	simm.s32 $0x1BFF;
	s21 =	sshll.u32 s6, $0x1;
	s3 =	sadd.s32 s4, s19  }
0x9c: {  	s7 =	simm.s32 $0x0;
	s20 =	sshll.u32 s5, $0x1;
	s5 =	sadd.s32 s21, s3  }
0x9d: {  	[timem:s7], [sflag:s22] =	dma.local [hbm:s5], s20  }
0x9e: {  	_ =	swait.ge [sflag:s22], s20  }
0x9f: {  	s4 =	ssub.s32 $0x0, s20;
	[sflag:s22] =	ssyncset.done $0x0  }
0xa0: {  	[sflag:s22] =	ssyncadd.s32 s4;
	_ =	sdelay $0x1  }
0xa1: {  	s23 =	simm.s32 $0x1B8B  }
0xa2: {  	_ =	swait.ge [sflag:s23], $0x1  }
0xa3: {  	[sflag:s23] =	ssyncset.done $0x0  }
0xa4: {  	s25 =	simm.s32 $0x1B8E;
	s24 =	sld [smem:$0x3FFE];
	[sflag:s23] =	ssyncadd.s32 $0xFFFFFFFF  }
0xa5: {  	s26 =	simm.s32 $execute0_lowered;
	[smem:$0x3FD2] =	sst s25  }
0xa6: {  	s5 =	sshll.u32 s26, $0x1;
	_ =	strace $0x80000049;
	[dreg:$0x1] =	wrdreg $0xFFFFFFFF  }
0xa7: {  	s28 =	simm.s32 $_size_execute0_lowered;
	s3 =	sadd.s32 s3, s5;
	[dreg:$0x0] =	wrdreg $0x0  }
0xa8: {  	s5 =	sshll.u32 s28, $0x1;
	[dreg:$0x2] =	wrdreg s3  }
0xa9: {  	[dreg:$0x3] =	wrdreg s5  }
0xaa: {  	[dreg:$0x4] =	wrdreg $0xC0  }
0xab: {  	_ =	task [dreg:s7], $0x5FFFF  }
0xac: {  	[dreg:$0x1] =	wrdreg $0xFFFFFFFF  }
0xad: {  	[dreg:$0x0] =	wrdreg $0x60  }
0xae: {  	[dreg:$0x2] =	wrdreg s2  }
0xaf: {  	[dreg:$0x3] =	wrdreg s24  }
0xb0: {  	[dreg:$0x4] =	wrdreg $0xEE000  }
0xb1: {  	[dreg:$0x5] =	wrdreg $0x9  }
0xb2: {  	_ =	task.clear_ibuf [dreg:s7], $0x6FFFF;
	_ =	strace $0x90000049  }
0xb3: {  	s29 =	simm.s32 $0x9;
	_ =	strace $0x8000004B  }
0xb4: {  	_ =	swait.ge [sflag:s29], $0x1  }
0xb5: {  	[sflag:s29] =	ssyncadd.s32 $0xFFFFFFFF  }
0xb6: {  	_ =	strace $0x9000004B  }
0xb7: {  	_ =	sfence  }
0xb8: {  	s30 =	sld [smem:$0x0];
	_ =	sdelay $0x2  }
0xb9: {  	s31 =	sshll.u32 s1, $0xD;
	s1 =	sshrl.u32 s1, $0x2  }
0xba: {  	s3 =	sand.u32 $0x4000, s31;
	s1 =	sadd.s32 s1, s30  }
0xbb: {  	s0 =	sor.u32 s3, s0;
	s1 =	sshll.u32 s1, $0x11  }
0xbc: {  	s0 =	sor.u32 s1, s0  }
0xbd: {  	s0 =	sadd.s32 $0x8F2B, s0  }
0xbe: {  	[sflag:s0] =	ssyncadd.remote.s32 $0x1  }
0xbf: {  	_ =	sfence.sel $0xFFFF  }
0xc0: {  	[dreg:$0x0] =	wrdreg $0xFFFFFFFF;
	(pc) =	sbr.abs _section_cstart, $3  }
0xc1: {  	[dreg:$0x1] =	wrdreg $0xFFFFFFFF  }
0xc2: {  	_ =	task.clear_ibuf [dreg:s7], $0x2FFFF;
	_ =	strace $0x9FFFFFFF  }
0xc3: {  	(tm) =	ssettm $0x7FFFFFFF  }
tec
execute0_lowered:
.L_overlay_start_1:
0x0: {  	(tag) =	ssettag $0x1  }
0x1: {  	s2 =	rddreg [dreg:$0x0]  }
0x2: {  	s6 =	rddreg [dreg:$0x1]  }
0x3: {  	s3 =	rddreg [dreg:$0x2]  }
0x4: {  	s1 =	stileid.u32;
	s0 =	rddreg [dreg:$0x3];
	s4 =	simm.s32 $0x0  }
0x5: {  	s8 =	srdreg.scid;
	s16 =	simm.s32 $0x50;
	s17 =	simm.s32 $0x9E00  }
0x6: {  	s18 =	simm.s32 $0x1;
	s19 =	simm.s32 $0x9D00;
	s20 =	simm.s32 $0xC600  }
0x7: {  	s21 =	simm.s32 $0x4;
	s22 =	simm.s32 $0x2;
	s24 =	simm.s32 $0x3  }
0x8: {  	s25 =	simm.s32 $0x0;
	s5 =	smul.u32 $0x9C4, s1;
	[smem:$0x7FF] =	sst s4  }
0x9: {  	s8 =	sand.u32 $0x1, s8;
	s9 =	smul.u32 $0x27000, s1;
	s10 =	sadd.s32 $0x17400, s6  }
0xa: {  	s13 =	smul.u32 $0x9C00, s1;
	s15 =	sadd.s32 $0x92400, s3;
	p0 =	seq.s32 s1, $0xF  }
0xb: {  	_ =	strace $0x8000004A;
	s29 =	ssub.s32 $0x2, s8;
	s11 =	smul.u32 $0x9C400, s8  }
0xc: {  	s23 =	smul.u32 $0x1388, s8;
	s7 =	sadd.s32 s5, s6;
	s12 =	sshrl.u32 s29, $0x1  }
0xd: {  	s5 =	sadd.s32 $0x16000, s6;
	s9 =	sshrl.u32 s9, $0x2;
	s12 =	ssub.s32 s29, s12  }
0xe: {  	s14 =	sadd.s32 s9, s3;
	s6 =	sadd.s32 $0xC200, s7;
	s30 =	sadd.s32 s13, s11  }
.Ltmp0:
0xf: {  	s7 =	sadd.s32 $0x2400, s7;
	s31 =	sshrl.u32 s11, $0x3;
	(pc) =	sbr.rel .LBB2_1-.Ltmp0, $4  }
0x10: {  	s11 =	sshrl.u32 @p0 s15, $0x3;
	s15 =	simm.s32 $0x4E80;
	v0 =	vmov s23;
	s23 =	simm.s32 $0x9D80  }
0x11: {  	s8 =	sshrl.u32 s30, $0x3;
	s9 =	sadd.s32 s10, s31;
	s13 =	sshrl.u32 @!p0 s14, $0x3  }
0x12: {  	s8 =	sadd.s32 s10, s8;
	s10 =	smax.u32 s12, $0x1;
	s12 =	sshll.u32 @!p0 s1, $0x6  }
0x13: {  	s14 =	simm.s32 $0x5;
	s9 =	sadd.s32 $0x12480, s9;
	s12 =	sor.u32 @!p0 $0x1C05, s12  }
.LBB2_7:
0x14: {  	_ =	swait.ge [sflag:s21], $0x2800  }
0x15: {  	[sflag:s21] =	ssyncset.done $0x0  }
0x16: {  	[sflag:s21] =	ssyncadd.s32 $0xFFFFD800  }
0x17: {  	s26 =	simm.s32 @p0 $0x1FC5;
	[bflag:$0x0] =	sbarrier.arrive $0xFFFF  }
0x18: {  	[hbm:s9], [sflag:s26] =	dma.local @p0 [spmem:s11], $0x1400  }
0x19: {  	s26 =	simm.s32 @p0 $0x5  }
0x1a: {  	s25 =	sadd.s32 $0x1, s25;
	_ =	swait.ge @p0 [sflag:s26], $0x1400  }
0x1b: {  	p1 =	sne.s32 s25, s10;
	[sflag:s26] =	ssyncset.done @p0 $0x0  }
.Ltmp1:
0x1c: {  	[sflag:s26] =	ssyncadd.s32 @p0 $0xFFFFEC00;
	s26 =	simm.s32 @!p0 $0x5;
	(pc) =	sbr.rel @!p1 .LBB2_8-.Ltmp1, $4  }
0x1d: {  	[hbm:s8], [sflag:s12] =	dma.local @!p0 [spmem:s13], $0x1380  }
0x1e: {  	_ =	swait.ge @!p0 [sflag:s26], $0x1380  }
0x1f: {  	[sflag:s26] =	ssyncset.done @!p0 $0x0  }
0x20: {  	[sflag:s26] =	ssyncadd.s32 @!p0 $0xFFFFEC80  }
.LBB2_1:
0x21: {  	s26 =	simm.s32 @p0 $0x1FC5  }
0x22: {  	[spmem:s11], [sflag:s26] =	dma.local @p0 [hbm:s5], $0x1400  }
0x23: {  	s26 =	simm.s32 @p0 $0x5  }
0x24: {  	_ =	swait.ge @p0 [sflag:s26], $0x1400  }
0x25: {  	[sflag:s26] =	ssyncset.done @p0 $0x0  }
0x26: {  	[sflag:s26] =	ssyncadd.s32 @p0 $0xFFFFEC00;
	s26 =	simm.s32 @!p0 $0x5  }
0x27: {  	[spmem:s13], [sflag:s12] =	dma.local @!p0 [hbm:s5], $0x1380  }
0x28: {  	_ =	swait.ge @!p0 [sflag:s26], $0x1380  }
0x29: {  	[sflag:s26] =	ssyncset.done @!p0 $0x0  }
0x2a: {  	[sflag:s26] =	ssyncadd.s32 @!p0 $0xFFFFEC80  }
0x2b: {  	[bflag:$0x0] =	sbarrier.arrive $0xFFFF  }
0x2c: {  	[tilespmem:s4], [sflag:$0x5] =	stream.linear.gather [hbm4b:s6+s4], $0x4E20, $0x38;
	[tilespmem:$0x18A80] =	vst v63  }
0x2d: {  	_ =	swait.ge [sflag:s14], $0x4E20  }
0x2e: {  	[sflag:s14] =	ssyncset.done $0x0  }
0x2f: {  	[sflag:s14] =	ssyncadd.s32 $0xFFFFB1E0  }
0x30: {  	[tilespmem:s15], [sflag:$0x5] =	stream.linear.gather [hbm4b:s7+s4], $0x4E20, $0x38;
	[tilespmem:$0x18A80] =	vst v63  }
0x31: {  	_ =	swait.ge [sflag:s14], $0x4E20  }
0x32: {  	[sflag:s14] =	ssyncset.done $0x0  }
0x33: {  	[sflag:s14] =	ssyncadd.s32 $0xFFFFB1E0  }
0x34: {  	[tilespmem:s17], [sflag:$0x1] =	stream.indirect.gather [hbm4b:s2+s16], $0x80, s4, s16, $0xb8;
	[tilespmem:$0x18A80] =	vst v63  }
0x35: {  	v1 =	vld [tilespmem:$0x4E80]  }
0x36: {  	v2 =	vld [tilespmem:$0x4E90]  }
0x37: {  	v3 =	vld [tilespmem:$0x4EA0]  }
0x38: {  	v4 =	vld [tilespmem:$0x4EB0]  }
0x39: {  	v5 =	vld [tilespmem:$0x4EC0]  }
0x3a: {  	v1 =	vsub.s32 v1, v0  }
0x3b: {  	v2 =	vsub.s32 v2, v0;
	v1 =	vmin.u32 v1, $0x1388  }
0x3c: {  	[tilespmem:$0x9D00] =	vst v1;
	v1 =	vmin.u32 v2, $0x1388;
	v2 =	vsub.s32 v3, v0  }
0x3d: {  	[tilespmem:$0x9D10] =	vst v1;
	v1 =	vmin.u32 v2, $0x1388;
	v2 =	vsub.s32 v4, v0  }
0x3e: {  	[tilespmem:$0x9D20] =	vst v1;
	v1 =	vmin.u32 v2, $0x1388;
	v2 =	vsub.s32 v5, v0  }
0x3f: {  	[tilespmem:$0x9D30] =	vst v1;
	v1 =	vmin.u32 v2, $0x1388  }
0x40: {  	[tilespmem:$0x9D40] =	vst v1  }
0x41: {  	_ =	swait.ge [sflag:s18], $0x2800  }
.Ltmp2:
0x42: {  	[sflag:s18] =	ssyncset.done $0x0;
	(pc) =	sbr.rel .LBB2_2-.Ltmp2, $4  }
0x43: {  	[sflag:s18] =	ssyncadd.s32 $0xFFFFD800  }
0x44: {  	[spmem:s3] =	stream.indirect.scatter.add.f32 [tilespmem:s17], [sflag:$0x3], $0x80, s19, s16, $0xb8;
	[tilespmem:$0x18A80] =	vst v63  }
0x45: {  	s28 =	simm.s32 $0xA0;
	s29 =	simm.s32 $0x4F10;
	s26 =	simm.s32 $0xFFFFFF07  }
0x46: {  	[tilespmem:s20], [sflag:$0x2] =	stream.indirect.gather [hbm4b:s2+s16], $0x80, s16, s16, $0xb8;
	[tilespmem:$0x18A80] =	vst v63  }
.LBB2_3:
0x47: {  	[tilespmem:$0x9D00] =	vst v1  }
0x48: {  	v1 =	vld [tilespmem:s29+$0xFFFFFFD0];
	_ =	sdelay $0x4  }
0x49: {  	v1 =	vsub.s32 v1, v0  }
0x4a: {  	v1 =	vmin.u32 v1, $0x1388  }
0x4b: {  	[tilespmem:$0x9D10] =	vst v1  }
0x4c: {  	v1 =	vld [tilespmem:s29+$0xFFFFFFE0];
	_ =	sdelay $0x4  }
0x4d: {  	v1 =	vsub.s32 v1, v0  }
0x4e: {  	v1 =	vmin.u32 v1, $0x1388  }
0x4f: {  	[tilespmem:$0x9D20] =	vst v1  }
0x50: {  	v1 =	vld [tilespmem:s29+$0xFFFFFFF0];
	_ =	sdelay $0x4  }
0x51: {  	v1 =	vsub.s32 v1, v0  }
0x52: {  	v1 =	vmin.u32 v1, $0x1388  }
0x53: {  	[tilespmem:$0x9D30] =	vst v1  }
0x54: {  	v1 =	vld [tilespmem:s29+$0x0];
	_ =	sdelay $0x4  }
0x55: {  	v1 =	vsub.s32 v1, v0  }
0x56: {  	v1 =	vmin.u32 v1, $0x1388  }
0x57: {  	[tilespmem:$0x9D40] =	vst v1  }
0x58: {  	_ =	swait.ge [sflag:s18], $0x2800  }
0x59: {  	[sflag:s18] =	ssyncset.done $0x0  }
0x5a: {  	[sflag:s18] =	ssyncadd.s32 $0xFFFFD800  }
0x5b: {  	[spmem:s3] =	stream.indirect.scatter.add.f32 [tilespmem:s17], [sflag:$0x3], $0x80, s19, s16, $0xb8;
	[tilespmem:$0x18A80] =	vst v63  }
0x5c: {  	_ =	swait.ge [sflag:s21], $0x2800  }
0x5d: {  	[sflag:s21] =	ssyncset.done $0x0  }
0x5e: {  	[sflag:s21] =	ssyncadd.s32 $0xFFFFD800  }
0x5f: {  	[tilespmem:s20], [sflag:$0x2] =	stream.indirect.gather [hbm4b:s2+s16], $0x80, s28, s16, $0xb8;
	[tilespmem:$0x18A80] =	vst v63  }
.LBB2_6:
0x60: {  	s26 =	sadd.s32 $0x1, s26  }
0x61: {  	p1 =	seq.s32 s26, $0x0  }
.Ltmp3:
0x62: {  	_ = 	snop;
	(pc) =	sbr.rel @p1 .LBB2_7-.Ltmp3, $2  }
0x63: {  	_ =	sdelay $0x2  }
0x64: {  	s28 =	sadd.s32 $0x50, s28;
	s29 =	sadd.s32 $0x50, s29  }
.LBB2_2:
0x65: {  	v1 =	vld [tilespmem:s29+$0xFFFFFFC0];
	s30 =	sand.u32 $0x1, s26  }
0x66: {  	p1 =	seq.s32 s30, $0x1  }
.Ltmp4:
0x67: {  	_ = 	snop;
	(pc) =	sbr.rel @!p1 .LBB2_3-.Ltmp4, $3  }
0x68: {  	_ =	sdelay $0x1  }
0x69: {  	v1 =	vsub.s32 v1, v0  }
0x6a: {  	v1 =	vmin.u32 v1, $0x1388  }
0x6b: {  	[tilespmem:$0x9D80] =	vst v1  }
0x6c: {  	v1 =	vld [tilespmem:s29+$0xFFFFFFD0];
	_ =	sdelay $0x4  }
0x6d: {  	v1 =	vsub.s32 v1, v0  }
0x6e: {  	v1 =	vmin.u32 v1, $0x1388  }
0x6f: {  	[tilespmem:$0x9D90] =	vst v1  }
0x70: {  	v1 =	vld [tilespmem:s29+$0xFFFFFFE0];
	_ =	sdelay $0x4  }
0x71: {  	v1 =	vsub.s32 v1, v0  }
0x72: {  	v1 =	vmin.u32 v1, $0x1388  }
0x73: {  	[tilespmem:$0x9DA0] =	vst v1  }
0x74: {  	v1 =	vld [tilespmem:s29+$0xFFFFFFF0];
	_ =	sdelay $0x4  }
0x75: {  	v1 =	vsub.s32 v1, v0  }
0x76: {  	v1 =	vmin.u32 v1, $0x1388  }
0x77: {  	[tilespmem:$0x9DB0] =	vst v1  }
0x78: {  	v1 =	vld [tilespmem:s29+$0x0];
	_ =	sdelay $0x4  }
0x79: {  	v1 =	vsub.s32 v1, v0  }
0x7a: {  	v1 =	vmin.u32 v1, $0x1388  }
0x7b: {  	[tilespmem:$0x9DC0] =	vst v1  }
0x7c: {  	_ =	swait.ge [sflag:s22], $0x2800  }
0x7d: {  	p1 =	seq.s32 s26, $0xFFFFFFFF;
	[sflag:s22] =	ssyncset.done $0x0  }
.Ltmp5:
0x7e: {  	[sflag:s22] =	ssyncadd.s32 $0xFFFFD800;
	(pc) =	sbr.rel @p1 .LBB2_7-.Ltmp5, $4  }
0x7f: {  	[spmem:s3] =	stream.indirect.scatter.add.f32 [tilespmem:s20], [sflag:$0x4], $0x80, s23, s16, $0xb8;
	[tilespmem:$0x18A80] =	vst v63  }
0x80: {  	_ =	swait.ge [sflag:s24], $0x2800  }
0x81: {  	[sflag:s24] =	ssyncset.done $0x0  }
0x82: {  	[sflag:s24] =	ssyncadd.s32 $0xFFFFD800  }
.Ltmp6:
0x83: {  	(pc) =	sbr.rel .LBB2_6-.Ltmp6, $2  }
0x84: {  	_ =	sdelay $0x2  }
0x85: {  	[tilespmem:s17], [sflag:$0x1] =	stream.indirect.gather [hbm4b:s2+s16], $0x80, s28, s16, $0xb8;
	[tilespmem:$0x18A80] =	vst v63  }
.LBB2_8:
0x86: {  	_ =	sfence.sel $0x180000  }
0x87: {  	[bflag:$0x0] =	sbarrier.arrive $0xFFFF  }
0x88: {  	p0 =	sne.s32 s1, $0x0;
	_ =	strace $0x9000004A  }
0x89: {  	s0 =	sadd.s32 @!p0 $0x100000, s0;
	[bflag:$0x2] =	sbarrier.arrive $0xFFFF  }
0x8a: {  	[sflag:s0] =	ssyncadd.tile.s32 @!p0 $0x1;
	_ =	shalt  }
.Lfunc_end2:
_tile_overlayer_lowered:
.L_overlay_start_2:
0x8b: {  	(tag) =	ssettag $0x2  }
0x8c: {  	s0 =	rddreg [dreg:$0x0];
	s2 =	stileid.u32  }
0x8d: {  	s1 =	rddreg [dreg:$0x1];
	p0 =	sne.s32 s2, $0x0  }
0x8e: {  	s3 =	rddreg [dreg:$0x2];
	[bflag:$0x3] =	sbarrier.arrive $0xFFFF;
	s2 =	simm.s32 @!p0 $0x1C05  }
0x8f: {  	[timem:s3], [sflag:s2] =	dma.local @!p0 [hbm:s0], s1  }
0x90: {  	s0 =	simm.s32 @!p0 $0x5  }
0x91: {  	_ =	swait.ge @!p0 [sflag:s0], s1  }
0x92: {  	s1 =	ssub.s32 @!p0 $0x0, s1;
	[sflag:s0] =	ssyncset.done @!p0 $0x0  }
0x93: {  	[sflag:s0] =	ssyncadd.s32 @!p0 s1  }
0x94: {  	[bflag:$0x3] =	sbarrier.arrive $0xFFFF  }
0x95: {  	_ =	shalt  }

// kernel: kernel.7.cloned.1.call-start
scs
__scs_entry_jumppad:
0x0: {  	(pc) =	sbr.rel $0x88, $3  }
0x1: {  	(tag) =	ssettag $0x0;
	lr =	simm.s32 $0x1  }
0x2: {  	[smem:$0x3F97] =	sst lr;
	_ =	strace $0xD0000000  }
0x3: {  	_ = 	snop  }
0x4: {  	_ = 	snop  }
0x5: {  	_ = 	snop  }
0x6: {  	_ = 	snop  }
0x7: {  	_ = 	snop  }
__scs_overlays_trampoline_lowered:
0x8: {  	[smem:$0x3FA6] =	sst s0  }
0x9: {  	[smem:$0x3FA7] =	sst s1  }
0xa: {  	[smem:$0x3FA8] =	sst s2  }
0xb: {  	[smem:$0x3FA9] =	sst s3  }
0xc: {  	[smem:$0x3FAA] =	sst s4  }
0xd: {  	[smem:$0x3FAB] =	sst s5  }
0xe: {  	[smem:$0x3FAC] =	sst s6  }
0xf: {  	[smem:$0x3FAD] =	sst s7  }
0x10: {  	[smem:$0x3FAE] =	sst s8  }
0x11: {  	[smem:$0x3FAF] =	sst s9;
	s0 =	simm.s32 @!p0 $0x0  }
0x12: {  	s1 =	sld [smem:$0x3F95];
	s0 =	simm.s32 @p0 $0x1  }
0x13: {  	[smem:$0x3FB0] =	sst s0;
	s0 =	simm.s32 @!p1 $0x0  }
0x14: {  	s2 =	sld [smem:$0x3F94];
	s0 =	simm.s32 @p1 $0x1  }
0x15: {  	[smem:$0x3FB1] =	sst s0;
	s0 =	simm.s32 @!p2 $0x0  }
0x16: {  	s3 =	sld [smem:$0x3FDB];
	s0 =	simm.s32 @p2 $0x1  }
0x17: {  	s4 =	simm.s32 $0x1BF5;
	[smem:$0x3FB3] =	sst s0  }
0x18: {  	s0 =	sld [smem:$0x3F96];
	_ =	swait.ge [sflag:s4], $0x0  }
0x19: {  	s7 =	sld [smem:$0x3F97]  }
0x1a: {  	s8 =	sadd.s32 $0xFFFFE003, lr  }
0x1b: {  	s9 =	sadd.s32 $0xFFFFFEF7, lr;
	s5 =	simm.s32 $0xFFFFFFFF;
	p2 =	slt.u32 s8, $0xFFFFF086  }
0x1c: {  	p1 =	slt.u32 s9, $0xF7A;
	s5 =	simm.s32 @!p2 $0x0  }
0x1d: {  	s5 =	simm.s32 @p1 $0x1;
	p0 =	seq.s32 s7, s2  }
0x1e: {  	s7 =	smul.u32 @!p0 $0xF7A, s2;
	p2 =	seq.s32 @!p0 s5, $0x0  }
0x1f: {  	s9 =	smul.u32 $0xF7A, s1;
	s8 =	simm.s32 @!p0 $0x1BF5;
	p2 =	por !p2, p0  }
0x20: {  	[sflag:s8] =	ssyncset.s32 @!p0 $0xFFFFF086;
	s6 =	sadd.s32 @!p0 s3, s7;
	s7 =	simm.s32 @!p0 $0x108  }
0x21: {  	s3 =	sadd.s32 s3, s9;
	s6 =	sadd.s32 @!p0 $0x88, s6;
	s7 =	simm.s32 @p2 $0x1082  }
0x22: {  	[simem:s7], [sflag:s8] =	dma.local @!p0 [hbm:s6], $0xF7A  }
0x23: {  	s9 =	sor.u32 $0xD0000000, s2;
	s6 =	simm.s32 $0x108;
	_ =	swait.ge @!p0 [sflag:s8], $0x0  }
0x24: {  	s3 =	sadd.s32 $0x88, s3;
	s6 =	simm.s32 @!p1 $0x1082;
	[sflag:s4] =	ssyncset.s32 $0xFFFFF086  }
0x25: {  	[simem:s6], [sflag:s4] =	dma.local [hbm:s3], $0xF7A  }
0x26: {  	[smem:$0x3F97] =	sst s1;
	(tag) =	ssettag s2;
	_ =	strace s9  }
0x27: {  	s1 =	sld [smem:$0x3FA7]  }
0x28: {  	s2 =	sld [smem:$0x3FA8]  }
0x29: {  	s4 =	sld [smem:$0x3FAA]  }
0x2a: {  	p0 =	seq.s32 s5, $0x0;
	s5 =	sld [smem:$0x3FAB]  }
0x2b: {  	s6 =	sld [smem:$0x3FAC]  }
0x2c: {  	s7 =	sld [smem:$0x3FAD]  }
0x2d: {  	s3 =	simm.s32 $0x108;
	s8 =	sld [smem:$0x3FAE]  }
0x2e: {  	s3 =	simm.s32 @!p0 $0x1082;
	s9 =	sld [smem:$0x3FAF]  }
0x2f: {  	lr =	sadd.s32 s0, s3;
	s0 =	sld [smem:$0x3FA6]  }
0x30: {  	s3 =	sld [smem:$0x3FA9]  }
0x31: {  	[smem:$0x3FB2] =	sst s10  }
0x32: {  	s10 =	sld [smem:$0x3FB0];
	_ =	sdelay $0x3  }
0x33: {  	p0 =	seq.s32 s10, $0x1;
	s10 =	sld [smem:$0x3FB2];
	_ =	sdelay $0x3  }
0x34: {  	[smem:$0x3FB2] =	sst s10  }
0x35: {  	s10 =	sld [smem:$0x3FB1];
	_ =	sdelay $0x3  }
0x36: {  	p1 =	seq.s32 s10, $0x1;
	s10 =	sld [smem:$0x3FB2];
	_ =	sdelay $0x3  }
0x37: {  	[smem:$0x3FB2] =	sst s10  }
0x38: {  	s10 =	sld [smem:$0x3FB3]  }
0x39: {  	_ = 	snop;
	(pc) =	sbr.ind lr, $3  }
0x3a: {  	_ = 	snop  }
0x3b: {  	_ = 	snop  }
0x3c: {  	p2 =	seq.s32 s10, $0x1;
	s10 =	sld [smem:$0x3FB2]  }
0x3d: {  	_ =	shalt  }
0x3e: {  	_ =	shalt  }
0x3f: {  	_ =	shalt  }
0x40: {  	_ =	shalt  }
0x41: {  	_ =	shalt  }
0x42: {  	_ =	shalt  }
0x43: {  	_ =	shalt  }
0x44: {  	_ =	shalt  }
0x45: {  	_ =	shalt  }
0x46: {  	_ =	shalt  }
0x47: {  	_ =	shalt  }
0x48: {  	_ =	shalt  }
0x49: {  	_ =	shalt  }
0x4a: {  	_ =	shalt  }
0x4b: {  	_ =	shalt  }
0x4c: {  	_ =	shalt  }
0x4d: {  	_ =	shalt  }
0x4e: {  	_ =	shalt  }
0x4f: {  	_ =	shalt  }
0x50: {  	_ =	shalt  }
0x51: {  	_ =	shalt  }
0x52: {  	_ =	shalt  }
0x53: {  	_ =	shalt  }
0x54: {  	_ =	shalt  }
0x55: {  	_ =	shalt  }
0x56: {  	_ =	shalt  }
0x57: {  	_ =	shalt  }
0x58: {  	_ =	shalt  }
0x59: {  	_ =	shalt  }
0x5a: {  	_ =	shalt  }
0x5b: {  	_ =	shalt  }
0x5c: {  	_ =	shalt  }
0x5d: {  	_ =	shalt  }
0x5e: {  	_ =	shalt  }
0x5f: {  	_ =	shalt  }
0x60: {  	_ =	shalt  }
0x61: {  	_ =	shalt  }
0x62: {  	_ =	shalt  }
0x63: {  	_ =	shalt  }
0x64: {  	_ =	shalt  }
0x65: {  	_ =	shalt  }
0x66: {  	_ =	shalt  }
0x67: {  	_ =	shalt  }
0x68: {  	_ =	shalt  }
0x69: {  	_ =	shalt  }
0x6a: {  	_ =	shalt  }
0x6b: {  	_ =	shalt  }
0x6c: {  	_ =	shalt  }
0x6d: {  	_ =	shalt  }
0x6e: {  	_ =	shalt  }
0x6f: {  	_ =	shalt  }
0x70: {  	_ =	shalt  }
0x71: {  	_ =	shalt  }
0x72: {  	_ =	shalt  }
0x73: {  	_ =	shalt  }
0x74: {  	_ =	shalt  }
0x75: {  	_ =	shalt  }
0x76: {  	_ =	shalt  }
0x77: {  	_ =	shalt  }
0x78: {  	_ =	shalt  }
0x79: {  	_ =	shalt  }
0x7a: {  	_ =	shalt  }
0x7b: {  	_ =	shalt  }
0x7c: {  	_ =	shalt  }
0x7d: {  	_ =	shalt  }
0x7e: {  	_ =	shalt  }
0x7f: {  	_ =	shalt  }
0x80: {  	_ =	shalt  }
0x81: {  	_ =	shalt  }
0x82: {  	_ =	shalt  }
0x83: {  	_ =	shalt  }
0x84: {  	_ =	shalt  }
0x85: {  	_ =	shalt  }
0x86: {  	_ =	shalt  }
0x87: {  	_ =	shalt  }
.Lfunc_end0:
.L_simem_size_0:
called_computation_lowered:
.L_overlay_start_0:
0x88: {  	s2 =	sld [smem:$0x3FD9]  }
0x89: {  	s3 =	sld [smem:$0x3FFE];
	_ =	sdelay $0x1  }
0x8a: {  	s1 =	srdreg.scid  }
0x8b: {  	s0 =	sand.u32 $0x1, s1  }
0x8c: {  	s17 =	sshll.u32 s0, $0xA;
	s2 =	sadd.s32 s3, s2  }
0x8d: {  	s2 =	sadd.s32 s2, s17  }
0x8e: {  	[smem:$0x3FBE] =	sst s2  }
0x8f: {  	_ = 	snop  }
0x90: {  	s2 =	sld [smem:$0x3FC9]  }
0x91: {  	s18 =	sld [smem:$0x3FD0];
	(tm) =	ssettm $0x1  }
0x92: {  	s4 =	sld [smem:$0x3FFB];
	_ =	sdelay $0x3  }
0x93: {  	_ =	strace s4  }
0x94: {  	s4 =	sld [smem:$0x3FFC];
	_ =	sdelay $0x3  }
0x95: {  	_ =	strace s4  }
0x96: {  	s4 =	sld [smem:$0x3FFD];
	_ =	sdelay $0x3  }
0x97: {  	_ =	strace s4  }
0x98: {  	_ =	strace $0x8FFFFFFF  }
0x99: {  	s19 =	sld [smem:$0x3FDB];
	_ =	sdelay $0x1  }
0x9a: {  	s5 =	simm.s32 $_scs_section_size  }
0x9b: {  	s6 =	simm.s32 $_size__tile_overlayer_lowered;
	s7 =	simm.s32 $_tile_overlayer_lowered  }
0x9c: {  	s22 =	simm.s32 $0x1BFF;
	s21 =	sshll.u32 s7, $0x1;
	s4 =	sadd.s32 s5, s19  }
0x9d: {  	s8 =	simm.s32 $0x0;
	s20 =	sshll.u32 s6, $0x1;
	s6 =	sadd.s32 s21, s4  }
0x9e: {  	[timem:s8], [sflag:s22] =	dma.local [hbm:s6], s20  }
0x9f: {  	_ =	swait.ge [sflag:s22], s20  }
0xa0: {  	s5 =	ssub.s32 $0x0, s20;
	[sflag:s22] =	ssyncset.done $0x0  }
0xa1: {  	[sflag:s22] =	ssyncadd.s32 s5;
	_ =	sdelay $0x1  }
0xa2: {  	s23 =	simm.s32 $0x1B8B  }
0xa3: {  	_ =	swait.ge [sflag:s23], $0x1  }
0xa4: {  	[sflag:s23] =	ssyncset.done $0x0  }
0xa5: {  	s25 =	simm.s32 $0x1B8E;
	s24 =	sld [smem:$0x3FFE];
	[sflag:s23] =	ssyncadd.s32 $0xFFFFFFFF  }
0xa6: {  	s26 =	simm.s32 $execute0_lowered;
	[smem:$0x3FD2] =	sst s25  }
0xa7: {  	s6 =	sshll.u32 s26, $0x1;
	_ =	strace $0x80000046;
	[dreg:$0x1] =	wrdreg $0xFFFFFFFF  }
0xa8: {  	s28 =	simm.s32 $_size_execute0_lowered;
	s4 =	sadd.s32 s4, s6;
	[dreg:$0x0] =	wrdreg $0x0  }
0xa9: {  	s6 =	sshll.u32 s28, $0x1;
	[dreg:$0x2] =	wrdreg s4  }
0xaa: {  	[dreg:$0x3] =	wrdreg s6  }
0xab: {  	[dreg:$0x4] =	wrdreg $0xC0  }
0xac: {  	_ =	task [dreg:s8], $0x5FFFF  }
0xad: {  	[dreg:$0x1] =	wrdreg $0xFFFFFFFF  }
0xae: {  	[dreg:$0x0] =	wrdreg $0x60  }
0xaf: {  	[dreg:$0x2] =	wrdreg s2  }
0xb0: {  	[dreg:$0x3] =	wrdreg s24  }
0xb1: {  	[dreg:$0x4] =	wrdreg s18  }
0xb2: {  	[dreg:$0x5] =	wrdreg $0x116000  }
0xb3: {  	[dreg:$0x6] =	wrdreg $0x9  }
0xb4: {  	_ =	task.clear_ibuf [dreg:s8], $0x7FFFF;
	_ =	strace $0x90000046  }
0xb5: {  	s29 =	simm.s32 $0x9;
	_ =	strace $0x80000048  }
0xb6: {  	_ =	swait.ge [sflag:s29], $0x1  }
0xb7: {  	[sflag:s29] =	ssyncadd.s32 $0xFFFFFFFF  }
0xb8: {  	_ =	strace $0x90000048  }
0xb9: {  	_ =	sfence  }
0xba: {  	s30 =	sld [smem:$0x0];
	_ =	sdelay $0x2  }
0xbb: {  	s31 =	sshll.u32 s1, $0xD;
	s1 =	sshrl.u32 s1, $0x2  }
0xbc: {  	s3 =	sand.u32 $0x4000, s31;
	s1 =	sadd.s32 s1, s30  }
0xbd: {  	s0 =	sor.u32 s3, s0;
	s1 =	sshll.u32 s1, $0x11  }
0xbe: {  	s0 =	sor.u32 s1, s0  }
0xbf: {  	s0 =	sadd.s32 $0x8F2B, s0  }
0xc0: {  	[sflag:s0] =	ssyncadd.remote.s32 $0x1  }
0xc1: {  	_ =	sfence.sel $0xFFFF  }
0xc2: {  	[dreg:$0x0] =	wrdreg $0xFFFFFFFF;
	(pc) =	sbr.abs _section_cstart, $3  }
0xc3: {  	[dreg:$0x1] =	wrdreg $0xFFFFFFFF  }
0xc4: {  	_ =	task.clear_ibuf [dreg:s8], $0x2FFFF;
	_ =	strace $0x9FFFFFFF  }
0xc5: {  	(tm) =	ssettm $0x7FFFFFFF  }
tec
execute0_lowered:
.L_overlay_start_1:
0x0: {  	(tag) =	ssettag $0x1  }
0x1: {  	s1 =	rddreg [dreg:$0x0]  }
0x2: {  	s6 =	rddreg [dreg:$0x1]  }
0x3: {  	s9 =	rddreg [dreg:$0x2];
	s0 =	stileid.u32  }
0x4: {  	s2 =	srdreg.scid;
	s3 =	rddreg [dreg:$0x3]  }
0x5: {  	s4 =	simm.s32 $0x0;
	s16 =	simm.s32 $0x4E80;
	s17 =	simm.s32 $0x9E00  }
0x6: {  	s18 =	simm.s32 $0xEE00;
	s19 =	simm.s32 $0x1;
	s5 =	smul.u32 $0x9C4, s0  }
0x7: {  	s20 =	simm.s32 $0x50;
	s21 =	simm.s32 $0x9D00;
	s10 =	smul.u32 $0x2800, s0  }
0x8: {  	s22 =	simm.s32 $0xC600;
	s23 =	simm.s32 $0x4;
	s12 =	smul.u32 $0x27000, s0  }
0x9: {  	s28 =	simm.s32 $0x0;
	s7 =	sand.u32 $0x1, s2;
	s30 =	smul.u32 $0x9C00, s0  }
0xa: {  	[smem:$0x7FF] =	sst s4;
	p0 =	seq.s32 s0, $0xF;
	s8 =	smul.u32 $0x28000, s7  }
0xb: {  	_ =	strace $0x80000047;
	s25 =	smul.u32 $0x1388, s7;
	s24 =	ssub.s32 $0x2, s7  }
0xc: {  	s13 =	smul.u32 $0x9C400, s7;
	s11 =	sadd.s32 s5, s6;
	s5 =	sadd.s32 $0x16000, s6  }
0xd: {  	s26 =	sshrl.u32 s24, $0x1;
	s29 =	sshrl.u32 s12, $0x2;
	s12 =	sadd.s32 $0x92400, s3  }
0xe: {  	s8 =	sadd.s32 s10, s8;
	s14 =	ssub.s32 s24, s26;
	s15 =	sadd.s32 s29, s3  }
0xf: {  	s7 =	sadd.s32 $0x2400, s11;
	s10 =	sadd.s32 s30, s13;
	s31 =	sshrl.u32 s13, $0x3  }
0x10: {  	s12 =	sshrl.u32 @p0 s12, $0x3;
	s13 =	sshll.u32 @!p0 s0, $0x6;
	s24 =	simm.s32 $0x2  }
.Ltmp0:
0x11: {  	v0 =	vmov s25;
	s25 =	simm.s32 $0x9D80;
	s26 =	simm.s32 $0x3;
	(pc) =	sbr.rel .LBB2_1-.Ltmp0, $4  }
0x12: {  	s8 =	sshrl.u32 s8, $0x3;
	s10 =	sshrl.u32 s10, $0x3;
	s13 =	sor.u32 @!p0 $0x1C05, s13  }
0x13: {  	s8 =	sadd.s32 s8, s6;
	s6 =	sadd.s32 $0xC200, s11;
	s11 =	sadd.s32 s9, s31  }
0x14: {  	s9 =	sadd.s32 s9, s10;
	s8 =	sadd.s32 $0x17400, s8;
	s10 =	sadd.s32 $0x12480, s11  }
0x15: {  	v1 =	vimm.f32 $0.0e+00;
	s11 =	smax.u32 s14, $0x1;
	s14 =	sshrl.u32 @!p0 s15, $0x3;
	s15 =	simm.s32 $0x5  }
.LBB2_9:
0x16: {  	_ =	swait.ge [sflag:s23], $0x2800  }
0x17: {  	[sflag:s23] =	ssyncset.done $0x0  }
0x18: {  	[sflag:s23] =	ssyncadd.s32 $0xFFFFD800  }
0x19: {  	[hbm4b:s8+s4] =	stream.linear.scatter [tilespmem:s18], [sflag:$0x5], $0x2800, $0x38;
	[tilespmem:$0x1B280] =	vst v63  }
0x1a: {  	_ =	swait.ge [sflag:s15], $0x2800  }
0x1b: {  	[sflag:s15] =	ssyncset.done $0x0  }
0x1c: {  	[sflag:s15] =	ssyncadd.s32 $0xFFFFD800  }
0x1d: {  	s2 =	simm.s32 @p0 $0x1FC5;
	[bflag:$0x0] =	sbarrier.arrive $0xFFFF  }
0x1e: {  	[hbm:s10], [sflag:s2] =	dma.local @p0 [spmem:s12], $0x1400  }
0x1f: {  	s2 =	simm.s32 @p0 $0x5  }
0x20: {  	s28 =	sadd.s32 $0x1, s28;
	_ =	swait.ge @p0 [sflag:s2], $0x1400  }
0x21: {  	p1 =	sne.s32 s28, s11;
	[sflag:s2] =	ssyncset.done @p0 $0x0  }
.Ltmp1:
0x22: {  	[sflag:s2] =	ssyncadd.s32 @p0 $0xFFFFEC00;
	s2 =	simm.s32 @!p0 $0x5;
	(pc) =	sbr.rel @!p1 .LBB2_10-.Ltmp1, $4  }
0x23: {  	[hbm:s9], [sflag:s13] =	dma.local @!p0 [spmem:s14], $0x1380  }
0x24: {  	_ =	swait.ge @!p0 [sflag:s2], $0x1380  }
0x25: {  	[sflag:s2] =	ssyncset.done @!p0 $0x0  }
0x26: {  	[sflag:s2] =	ssyncadd.s32 @!p0 $0xFFFFEC80  }
.LBB2_1:
0x27: {  	s29 =	simm.s32 @p0 $0x1FC5  }
0x28: {  	[spmem:s12], [sflag:s29] =	dma.local @p0 [hbm:s5], $0x1400  }
0x29: {  	s29 =	simm.s32 @p0 $0x5  }
0x2a: {  	_ =	swait.ge @p0 [sflag:s29], $0x1400  }
0x2b: {  	[sflag:s29] =	ssyncset.done @p0 $0x0  }
0x2c: {  	[sflag:s29] =	ssyncadd.s32 @p0 $0xFFFFEC00;
	s29 =	simm.s32 @!p0 $0x5  }
0x2d: {  	[spmem:s14], [sflag:s13] =	dma.local @!p0 [hbm:s5], $0x1380  }
0x2e: {  	_ =	swait.ge @!p0 [sflag:s29], $0x1380  }
0x2f: {  	[sflag:s29] =	ssyncset.done @!p0 $0x0  }
0x30: {  	s30 =	simm.s32 $0x200;
	[sflag:s29] =	ssyncadd.s32 @!p0 $0xFFFFEC80;
	s29 =	simm.s32 $0x0  }
.LBB2_2:
0x31: {  	p1 =	sne.s32 s30, $0x9E00;
	[tilespmem:s29+$0xEE70] =	vst v1  }
0x32: {  	[tilespmem:s29+$0xEE00] =	vst v1  }
0x33: {  	[tilespmem:s29+$0xEE10] =	vst v1  }
.Ltmp2:
0x34: {  	[tilespmem:s29+$0xEE20] =	vst v1;
	(pc) =	sbr.rel @p1 .LBB2_2-.Ltmp2, $4  }
0x35: {  	[tilespmem:s29+$0xEE30] =	vst v1  }
0x36: {  	[tilespmem:s29+$0xEE40] =	vst v1  }
0x37: {  	[tilespmem:s29+$0xEE50] =	vst v1  }
0x38: {  	[tilespmem:s29+$0xEE60] =	vst v1;
	s29 =	sshra.s32 s30, $0x2;
	s30 =	sadd.s32 $0x200, s30  }
0x39: {  	[tilespmem:s29+$0xEE70] =	vst v1  }
0x3a: {  	[tilespmem:s29+$0xEE00] =	vst v1  }
0x3b: {  	[tilespmem:s29+$0xEE10] =	vst v1  }
0x3c: {  	[tilespmem:s29+$0xEE20] =	vst v1  }
0x3d: {  	[tilespmem:s29+$0xEE30] =	vst v1  }
0x3e: {  	[tilespmem:s29+$0xEE40] =	vst v1  }
0x3f: {  	[tilespmem:s29+$0xEE50] =	vst v1  }
0x40: {  	[tilespmem:s29+$0xEE60] =	vst v1  }
0x41: {  	s29 =	simm.s32 $0x0;
	[bflag:$0x0] =	sbarrier.arrive $0xFFFF  }
0x42: {  	[tilespmem:s29], [sflag:$0x5] =	stream.linear.gather [hbm4b:s6+s29], $0x4E20, $0x38;
	[tilespmem:$0x1B280] =	vst v63  }
0x43: {  	_ =	swait.ge [sflag:s15], $0x4E20  }
0x44: {  	[sflag:s15] =	ssyncset.done $0x0  }
0x45: {  	[sflag:s15] =	ssyncadd.s32 $0xFFFFB1E0  }
0x46: {  	[tilespmem:s16], [sflag:$0x5] =	stream.linear.gather [hbm4b:s7+s29], $0x4E20, $0x38;
	[tilespmem:$0x1B280] =	vst v63  }
.Ltmp3:
0x47: {  	_ = 	snop;
	(pc) =	sbr.rel .LBB2_4-.Ltmp3, $4  }
0x48: {  	_ =	swait.ge [sflag:s15], $0x4E20  }
0x49: {  	[sflag:s15] =	ssyncset.done $0x0  }
0x4a: {  	s30 =	simm.s32 $0x50;
	s31 =	simm.s32 $0x4EA0;
	[sflag:s15] =	ssyncadd.s32 $0xFFFFB1E0  }
0x4b: {  	[tilespmem:s17], [sflag:$0x1] =	stream.indirect.gather [hbm4b:s1+s30], $0x80, s29, s30, $0xb8;
	[tilespmem:$0x1B280] =	vst v63  }
.LBB2_5:
0x4c: {  	_ =	sdelay $0x3  }
0x4d: {  	[tilespmem:$0x9D00] =	vst v4  }
0x4e: {  	[tilespmem:v2+s18+$0x0] =	vst.idx.add.f32.msk vm0, v3  }
0x4f: {  	v2 =	vld [tilespmem:s31+$0xFFFFFFF0];
	_ =	sdelay $0x4  }
0x50: {  	(xrf1) =	vunique.msk.u32 $0xffff, v2;
	_ =	sdelay $0xd  }
0x51: {  	_, v3, vm0 =	vpop (xrf1);
	_ =	sdelay $0x2  }
0x52: {  	v60 =	vsub.s32 v2, v0  }
0x53: {  	v4 =	vmin.u32 v60, $0x1388;
	v3 =	vcvt.s32.f32 v3  }
0x54: {  	[tilespmem:$0x9D10] =	vst v4  }
0x55: {  	[tilespmem:v2+s18+$0x0] =	vst.idx.add.f32.msk vm0, v3  }
0x56: {  	v2 =	vld [tilespmem:s31+$0x0];
	_ =	sdelay $0x4  }
0x57: {  	(xrf1) =	vunique.msk.u32 $0xffff, v2;
	_ =	sdelay $0xd  }
0x58: {  	_, v3, vm0 =	vpop (xrf1);
	_ =	sdelay $0x2  }
0x59: {  	v61 =	vsub.s32 v2, v0  }
0x5a: {  	v4 =	vmin.u32 v61, $0x1388;
	v3 =	vcvt.s32.f32 v3  }
0x5b: {  	[tilespmem:$0x9D20] =	vst v4  }
0x5c: {  	[tilespmem:v2+s18+$0x0] =	vst.idx.add.f32.msk vm0, v3  }
0x5d: {  	v2 =	vld [tilespmem:s31+$0x10];
	_ =	sdelay $0x4  }
0x5e: {  	(xrf1) =	vunique.msk.u32 $0xffff, v2;
	_ =	sdelay $0xd  }
0x5f: {  	_, v3, vm0 =	vpop (xrf1);
	_ =	sdelay $0x2  }
0x60: {  	v62 =	vsub.s32 v2, v0  }
0x61: {  	v4 =	vmin.u32 v62, $0x1388;
	v3 =	vcvt.s32.f32 v3  }
0x62: {  	[tilespmem:$0x9D30] =	vst v4  }
0x63: {  	[tilespmem:v2+s18+$0x0] =	vst.idx.add.f32.msk vm0, v3  }
0x64: {  	v2 =	vld [tilespmem:s31+$0x20];
	_ =	sdelay $0x4  }
0x65: {  	(xrf1) =	vunique.msk.u32 $0xffff, v2;
	_ =	sdelay $0xd  }
0x66: {  	_, v3, vm0 =	vpop (xrf1);
	_ =	sdelay $0x2  }
0x67: {  	v63 =	vsub.s32 v2, v0  }
0x68: {  	v4 =	vmin.u32 v63, $0x1388;
	v3 =	vcvt.s32.f32 v3  }
0x69: {  	[tilespmem:$0x9D40] =	vst v4  }
0x6a: {  	[tilespmem:v2+s18+$0x0] =	vst.idx.add.f32.msk vm0, v3  }
0x6b: {  	_ =	swait.ge [sflag:s19], $0x2800  }
0x6c: {  	p1 =	seq.s32 s29, $0x0;
	[sflag:s19] =	ssyncset.done $0x0  }
0x6d: {  	s2 =	simm.s32 @!p1 $0x4;
	[sflag:s19] =	ssyncadd.s32 $0xFFFFD800  }
0x6e: {  	[spmem:s3] =	stream.indirect.scatter.add.f32 [tilespmem:s17], [sflag:$0x3], $0x80, s21, s20, $0xb8;
	[tilespmem:$0x1B280] =	vst v63  }
0x6f: {  	_ =	swait.ge @!p1 [sflag:s2], $0x2800  }
0x70: {  	[sflag:s2] =	ssyncset.done @!p1 $0x0  }
0x71: {  	[sflag:s2] =	ssyncadd.s32 @!p1 $0xFFFFD800  }
0x72: {  	[tilespmem:s22], [sflag:$0x2] =	stream.indirect.gather [hbm4b:s1+s20], $0x80, s30, s20, $0xb8;
	[tilespmem:$0x1B280] =	vst v63  }
.LBB2_8:
0x73: {  	s29 =	sadd.s32 $0x1, s29  }
0x74: {  	p1 =	sne.s32 s29, $0xFA  }
.Ltmp4:
0x75: {  	_ = 	snop;
	(pc) =	sbr.rel @!p1 .LBB2_9-.Ltmp4, $2  }
0x76: {  	_ =	sdelay $0x2  }
0x77: {  	s30 =	sadd.s32 $0x50, s30;
	s31 =	sadd.s32 $0x50, s31  }
.LBB2_4:
0x78: {  	v2 =	vld [tilespmem:s31+$0xFFFFFFE0];
	_ =	sdelay $0x4  }
0x79: {  	(xrf1) =	vunique.msk.u32 $0xffff, v2;
	_ =	sdelay $0x8  }
0x7a: {  	s2 =	sand.u32 $0x1, s29  }
0x7b: {  	p1 =	seq.s32 s2, $0x1  }
.Ltmp5:
0x7c: {  	_ = 	snop;
	(pc) =	sbr.rel @!p1 .LBB2_5-.Ltmp5, $3  }
0x7d: {  	_ =	sdelay $0x1  }
0x7e: {  	v3 =	vsub.s32 v2, v0;
	_, v5, vm0 =	vpop (xrf1)  }
0x7f: {  	v4 =	vmin.u32 v3, $0x1388;
	v3 =	vcvt.s32.f32 v5  }
0x80: {  	_ =	sdelay $0x3  }
0x81: {  	[tilespmem:$0x9D80] =	vst v4  }
0x82: {  	[tilespmem:v2+s18+$0x0] =	vst.idx.add.f32.msk vm0, v3  }
0x83: {  	v2 =	vld [tilespmem:s31+$0xFFFFFFF0];
	_ =	sdelay $0x4  }
0x84: {  	(xrf1) =	vunique.msk.u32 $0xffff, v2;
	_ =	sdelay $0xd  }
0x85: {  	_, v3, vm0 =	vpop (xrf1);
	_ =	sdelay $0x2  }
0x86: {  	v60 =	vsub.s32 v2, v0  }
0x87: {  	v4 =	vmin.u32 v60, $0x1388;
	v3 =	vcvt.s32.f32 v3  }
0x88: {  	[tilespmem:$0x9D90] =	vst v4  }
0x89: {  	[tilespmem:v2+s18+$0x0] =	vst.idx.add.f32.msk vm0, v3  }
0x8a: {  	v2 =	vld [tilespmem:s31+$0x0];
	_ =	sdelay $0x4  }
0x8b: {  	(xrf1) =	vunique.msk.u32 $0xffff, v2;
	_ =	sdelay $0xd  }
0x8c: {  	_, v3, vm0 =	vpop (xrf1);
	_ =	sdelay $0x2  }
0x8d: {  	v61 =	vsub.s32 v2, v0  }
0x8e: {  	v4 =	vmin.u32 v61, $0x1388;
	v3 =	vcvt.s32.f32 v3  }
0x8f: {  	[tilespmem:$0x9DA0] =	vst v4  }
0x90: {  	[tilespmem:v2+s18+$0x0] =	vst.idx.add.f32.msk vm0, v3  }
0x91: {  	v2 =	vld [tilespmem:s31+$0x10];
	_ =	sdelay $0x4  }
0x92: {  	(xrf1) =	vunique.msk.u32 $0xffff, v2;
	_ =	sdelay $0xd  }
0x93: {  	_, v3, vm0 =	vpop (xrf1);
	_ =	sdelay $0x2  }
0x94: {  	v62 =	vsub.s32 v2, v0  }
0x95: {  	v4 =	vmin.u32 v62, $0x1388;
	v3 =	vcvt.s32.f32 v3  }
0x96: {  	[tilespmem:$0x9DB0] =	vst v4  }
0x97: {  	[tilespmem:v2+s18+$0x0] =	vst.idx.add.f32.msk vm0, v3  }
0x98: {  	v2 =	vld [tilespmem:s31+$0x20];
	_ =	sdelay $0x4  }
0x99: {  	(xrf1) =	vunique.msk.u32 $0xffff, v2;
	_ =	sdelay $0xd  }
0x9a: {  	_, v3, vm0 =	vpop (xrf1);
	_ =	sdelay $0x2  }
0x9b: {  	v63 =	vsub.s32 v2, v0  }
0x9c: {  	v4 =	vmin.u32 v63, $0x1388;
	v3 =	vcvt.s32.f32 v3  }
0x9d: {  	[tilespmem:$0x9DC0] =	vst v4  }
0x9e: {  	[tilespmem:v2+s18+$0x0] =	vst.idx.add.f32.msk vm0, v3  }
0x9f: {  	_ =	swait.ge [sflag:s24], $0x2800  }
0xa0: {  	p1 =	seq.s32 s29, $0xF9;
	[sflag:s24] =	ssyncset.done $0x0  }
.Ltmp6:
0xa1: {  	[sflag:s24] =	ssyncadd.s32 $0xFFFFD800;
	(pc) =	sbr.rel @p1 .LBB2_9-.Ltmp6, $4  }
0xa2: {  	[spmem:s3] =	stream.indirect.scatter.add.f32 [tilespmem:s22], [sflag:$0x4], $0x80, s25, s20, $0xb8;
	[tilespmem:$0x1B280] =	vst v63  }
0xa3: {  	_ =	swait.ge [sflag:s26], $0x2800  }
0xa4: {  	[sflag:s26] =	ssyncset.done $0x0  }
0xa5: {  	[sflag:s26] =	ssyncadd.s32 $0xFFFFD800  }
.Ltmp7:
0xa6: {  	(pc) =	sbr.rel .LBB2_8-.Ltmp7, $2  }
0xa7: {  	_ =	sdelay $0x2  }
0xa8: {  	[tilespmem:s17], [sflag:$0x1] =	stream.indirect.gather [hbm4b:s1+s20], $0x80, s30, s20, $0xb8;
	[tilespmem:$0x1B280] =	vst v63  }
.LBB2_10:
0xa9: {  	_ =	sfence.sel $0x180000  }
0xaa: {  	[bflag:$0x0] =	sbarrier.arrive $0xFFFF  }
0xab: {  	_ =	strace $0x90000047  }
0xac: {  	[bflag:$0x2] =	sbarrier.arrive $0xFFFF  }
0xad: {  	p0 =	sne.s32 s0, $0x0;
	s0 =	rddreg [dreg:$0x4]  }
0xae: {  	s0 =	sadd.s32 @!p0 $0x100000, s0  }
0xaf: {  	[sflag:s0] =	ssyncadd.tile.s32 @!p0 $0x1;
	_ =	shalt  }
.Lfunc_end2:
_tile_overlayer_lowered:
.L_overlay_start_2:
0xb0: {  	(tag) =	ssettag $0x2  }
0xb1: {  	s0 =	rddreg [dreg:$0x0];
	s2 =	stileid.u32  }
0xb2: {  	s1 =	rddreg [dreg:$0x1];
	p0 =	sne.s32 s2, $0x0  }
0xb3: {  	s3 =	rddreg [dreg:$0x2];
	[bflag:$0x3] =	sbarrier.arrive $0xFFFF;
	s2 =	simm.s32 @!p0 $0x1C05  }
0xb4: {  	[timem:s3], [sflag:s2] =	dma.local @!p0 [hbm:s0], s1  }
0xb5: {  	s0 =	simm.s32 @!p0 $0x5  }
0xb6: {  	_ =	swait.ge @!p0 [sflag:s0], s1  }
0xb7: {  	s1 =	ssub.s32 @!p0 $0x0, s1;
	[sflag:s0] =	ssyncset.done @!p0 $0x0  }
0xb8: {  	[sflag:s0] =	ssyncadd.s32 @!p0 s1  }
0xb9: {  	[bflag:$0x3] =	sbarrier.arrive $0xFFFF  }
0xba: {  	_ =	shalt  }

</sc_bundles>
